<compile_context>
chip_gen: v7x
topology: tpu7x:2x2x1
jax: 0.10.2.dev20260603
libtpu: 0.0.44.dev20260713+nightly
codegen_flags: <defaults>
</compile_context>

<pallas_src>
import functools

import jax
import jax.numpy as jnp
from jax import lax
from jax.experimental import pallas as pl
from jax.experimental.pallas import tpu as pltpu
from jax.experimental.pallas import tpu_sc as plsc

_N, _D, _G = 320000, 128, 10000
_B = 4000
_NB = _N // _B
_S = 160
_GPAD = 10240


def _tc_body(jx_ref, x_ref, wgt_ref, bg_ref, wft_ref, bf_ref, wht_ref,
             bh_ref, outg_ref, acc_ref):
    i = pl.program_id(0)

    @pl.when(i == 0)
    def _init():
        acc_ref[...] = jnp.zeros_like(acc_ref)

    x = x_ref[...].astype(jnp.bfloat16)
    e = jnp.exp(jnp.dot(x, wgt_ref[...].astype(jnp.bfloat16),
                        preferred_element_type=jnp.float32) + bg_ref[...])
    f = jnp.dot(x, wft_ref[...].astype(jnp.bfloat16),
                preferred_element_type=jnp.float32) + bf_ref[...]
    m = jnp.concatenate([e * f, e], axis=1).astype(jnp.bfloat16)

    ids = jx_ref[i]
    mn = jnp.min(ids)
    mx = jnp.max(ids)
    base0 = mn - mn % 8
    nchunk = (mx - base0) // _S + 1

    def _chunk(c, carry):
        base = pl.multiple_of(base0 + c * _S, 8)
        rows = base + lax.broadcasted_iota(jnp.int32, (_S, _B), 0)
        onehot = (rows == ids).astype(jnp.bfloat16)
        part = jnp.dot(onehot, m, preferred_element_type=jnp.float32)
        acc_ref[pl.ds(base, _S), :] += part
        return carry

    lax.fori_loop(0, nchunk, _chunk, 0)

    @pl.when(i == _NB - 1)
    def _fin():
        num = acc_ref[:, :_D]
        den = acc_ref[:, _D:]
        y = num / (den + 1e-12)
        outg_ref[...] = (jnp.dot(y, wht_ref[...],
                                 preferred_element_type=jnp.float32)
                         + bh_ref[...])


def _group_table(x, jx3, wgt, bg2, wft, bf2, wht, bh2):
    wspec = pl.BlockSpec((_D, _D), lambda i: (0, 0))
    bspec = pl.BlockSpec((1, _D), lambda i: (0, 0))
    return pl.pallas_call(
        _tc_body,
        grid=(_NB,),
        in_specs=[
            pl.BlockSpec((_NB, 1, _B), lambda i: (0, 0, 0)),
            pl.BlockSpec((_B, _D), lambda i: (i, 0)),
            wspec, bspec, wspec, bspec, wspec, bspec,
        ],
        out_specs=pl.BlockSpec((_GPAD, _D), lambda i: (0, 0)),
        out_shape=jax.ShapeDtypeStruct((_GPAD, _D), jnp.float32),
        scratch_shapes=[pltpu.VMEM((_GPAD, 2 * _D), jnp.float32)],
    )(jx3, x, wgt, bg2, wft, bf2, wht, bh2)


_NW = 32
_BPW = _N // _NW
_CH = 184
_NCH = -(-_BPW // _CH)
_NSLOT = 5


def _sc_gather(outg, jx):
    mesh = plsc.VectorSubcoreMesh(core_axis_name="c", subcore_axis_name="s")

    @functools.partial(
        pl.kernel,
        out_type=jax.ShapeDtypeStruct((_N, _D), jnp.float32),
        mesh=mesh,
        scratch_types=(
            [pltpu.VMEM((_BPW,), jnp.int32)]
            + [pltpu.VMEM((_CH, _D), jnp.float32)] * _NSLOT
            + [pltpu.SemaphoreType.DMA] * (2 * _NSLOT)
        ),
    )
    def k(outg_hbm, jx_hbm, out_hbm, idx_v, *bufs_and_sems):
        rows = bufs_and_sems[:_NSLOT]
        gs = bufs_and_sems[_NSLOT:2 * _NSLOT]
        ws = bufs_and_sems[2 * _NSLOT:]
        wid = lax.axis_index("s") * 2 + lax.axis_index("c")
        base = wid * _BPW
        pltpu.sync_copy(jx_hbm.at[pl.ds(base, _BPW)], idx_v)

        def _off(kk):
            return jnp.minimum(kk * _CH, _BPW - _CH)

        def _start_g(kk, j):
            pltpu.make_async_copy(
                outg_hbm.at[idx_v.at[pl.ds(_off(kk), _CH)]], rows[j],
                gs[j]).start()

        def _start_w(kk, j):
            pltpu.make_async_copy(
                rows[j], out_hbm.at[pl.ds(base + _off(kk), _CH)],
                ws[j]).start()

        def _wait(j, write):
            if write:
                pltpu.make_async_copy(
                    rows[j], out_hbm.at[pl.ds(base, _CH)], ws[j]).wait()
            else:
                pltpu.make_async_copy(
                    outg_hbm.at[idx_v.at[pl.ds(0, _CH)]], rows[j],
                    gs[j]).wait()

        def _body(i, carry):
            for j in range(_NSLOT):

                @pl.when(i > 0)
                def _(j=j):
                    _wait(j, True)

                _start_g(_NSLOT * i + j, j)
            for j in range(_NSLOT):
                _wait(j, False)
                _start_w(_NSLOT * i + j, j)
            return carry

        nfull = _NCH // _NSLOT
        lax.fori_loop(0, nfull, _body, 0)
        for j in range(_NCH - nfull * _NSLOT):
            _wait(j, True)
            _start_g(nfull * _NSLOT + j, j)
            _wait(j, False)
            _start_w(nfull * _NSLOT + j, j)
        for j in range(_NSLOT):
            _wait(j, True)

    return k(outg, jx)


def kernel(x, jx, Wf, bf, Wg, bg, Wh, bh):
    jx = jx.astype(jnp.int32)
    jx3 = jx.reshape(_NB, 1, _B)
    outg = _group_table(
        x, jx3,
        Wg.T, bg.reshape(1, _D),
        Wf.T, bf.reshape(1, _D),
        Wh.T, bh.reshape(1, _D),
    )
    return _sc_gather(outg, jx)

# --- scband reference (transcript-rebuilt; emitter-appended) ---
"""Pipeline reference for scband-soft-agg-onnx-29678224016003 (READ-ONLY COPY).

The authoritative reference and input builder live on the scoring server;
editing this copy changes nothing except your own understanding.
"""

import jax, jax.numpy as jnp
import numpy as np

N, D, G = 320000, 128, 10000

def setup_inputs(seed: int = 0) -> dict:
    key = jax.random.key(seed)
    ks = jax.random.split(key, 8)
    x = jax.random.normal(ks[0], (N, D), dtype=jnp.float32)
    jx = jnp.sort(jax.random.randint(ks[1], (N,), 0, G))
    s = 1.0 / np.sqrt(D)
    Wf = jax.random.uniform(ks[2], (D, D), minval=-s, maxval=s, dtype=jnp.float32)
    bf = jax.random.uniform(ks[3], (D,), minval=-s, maxval=s, dtype=jnp.float32)
    Wg = jax.random.uniform(ks[4], (D, D), minval=-s, maxval=s, dtype=jnp.float32)
    bg = jax.random.uniform(ks[5], (D,), minval=-s, maxval=s, dtype=jnp.float32)
    Wh = jax.random.uniform(ks[6], (D, D), minval=-s, maxval=s, dtype=jnp.float32)
    bh = jax.random.uniform(ks[7], (D,), minval=-s, maxval=s, dtype=jnp.float32)
    return {"x": x, "jx": jx, "Wf": Wf, "bf": bf, "Wg": Wg, "bg": bg, "Wh": Wh, "bh": bh}

def reference(x, jx, Wf, bf, Wg, bg, Wh, bh):
    num_seg = G
    logits = x @ Wg.T + bg
    feats = x @ Wf.T + bf
    gmax = jax.ops.segment_max(logits, jx, num_segments=num_seg)
    centered = logits - gmax[jx]
    expv = jnp.exp(centered)
    denom = jax.ops.segment_sum(expv, jx, num_segments=num_seg)
    w = expv / (denom[jx] + 1e-12)
    y = jax.ops.segment_sum(feats * w, jx, num_segments=num_seg)
    out_group = y @ Wh.T + bh
    return out_group[jx]

if __name__ == "__main__":
    import jax
    _d = setup_inputs()
    print(jax.jit(kernel)(*tuple(_d.values())))

</pallas_src>

<mosaic_0001>
#map = affine_map<(d0, d1) -> (0, 0)>
#map1 = affine_map<(d0, d1) -> (0)>
module attributes {stable_mosaic.version = 14 : i64} {
  func.func @k(%arg0: i32, %arg1: i32, %arg2: memref<10240x128xf32, #tpu.memory_space<hbm>>, %arg3: memref<320000xi32, #tpu.memory_space<hbm>>, %arg4: memref<320000x128xf32, #tpu.memory_space<hbm>>, %arg5: memref<10000xi32, #tpu.memory_space<vmem>>, %arg6: memref<184x128xf32, #tpu.memory_space<vmem>>, %arg7: memref<184x128xf32, #tpu.memory_space<vmem>>, %arg8: memref<184x128xf32, #tpu.memory_space<vmem>>, %arg9: memref<184x128xf32, #tpu.memory_space<vmem>>, %arg10: memref<184x128xf32, #tpu.memory_space<vmem>>, %arg11: memref<!tpu.dma_semaphore, #tpu.memory_space<semaphore_mem>>, %arg12: memref<!tpu.dma_semaphore, #tpu.memory_space<semaphore_mem>>, %arg13: memref<!tpu.dma_semaphore, #tpu.memory_space<semaphore_mem>>, %arg14: memref<!tpu.dma_semaphore, #tpu.memory_space<semaphore_mem>>, %arg15: memref<!tpu.dma_semaphore, #tpu.memory_space<semaphore_mem>>, %arg16: memref<!tpu.dma_semaphore, #tpu.memory_space<semaphore_mem>>, %arg17: memref<!tpu.dma_semaphore, #tpu.memory_space<semaphore_mem>>, %arg18: memref<!tpu.dma_semaphore, #tpu.memory_space<semaphore_mem>>, %arg19: memref<!tpu.dma_semaphore, #tpu.memory_space<semaphore_mem>>, %arg20: memref<!tpu.dma_semaphore, #tpu.memory_space<semaphore_mem>>) attributes {dimension_semantics = [#tpu.dimension_semantics<core_parallel>, #tpu.dimension_semantics<subcore_parallel>], iteration_bounds = array<i64: 2, 16>, scalar_prefetch = 0 : i64, scratch_operands = 16 : i64, tpu.core_type = #tpu.core_type<sc_vector_subcore>, window_params = [{transform_indices = #map}, {transform_indices = #map1}, {transform_indices = #map}]} {
    %mul3A = arith.constant 2 : i32
    %mul3A_0 = arith.muli %arg1, %mul3A : i32
    %add3A = arith.addi %mul3A_0, %arg0 : i32
    %mul3A_1 = arith.constant 10000 : i32
    %mul3A_2 = arith.muli %add3A, %mul3A_1 : i32
    "tpu.region"() ({
      %run_scoped3A = tpu.sem_alloc : memref<!tpu.dma_semaphore, #tpu.memory_space<semaphore_mem>>
      %dma_start3A = tpu.memref_slice %arg3[%mul3A_2] : memref<320000xi32, #tpu.memory_space<hbm>> -> memref<10000xi32, #tpu.memory_space<hbm>>
      %dma_start3A_27 = tpu.memref_slice %arg3[%mul3A_2] : memref<320000xi32, #tpu.memory_space<hbm>> -> memref<10000xi32, #tpu.memory_space<hbm>>
      tpu.enqueue_dma source(%dma_start3A_27 : memref<10000xi32, #tpu.memory_space<hbm>>) target(%arg5 : memref<10000xi32, #tpu.memory_space<vmem>>) target_semaphore(%run_scoped3A : memref<!tpu.dma_semaphore, #tpu.memory_space<semaphore_mem>>)
      %dma_wait3A_28 = tpu.memref_slice %arg3[%mul3A_2] : memref<320000xi32, #tpu.memory_space<hbm>> -> memref<10000xi32, #tpu.memory_space<hbm>>
      %dma_wait3A_29 = tpu.memref_slice %arg3[%mul3A_2] : memref<320000xi32, #tpu.memory_space<hbm>> -> memref<10000xi32, #tpu.memory_space<hbm>>
      tpu.wait_dma2 semaphore(%run_scoped3A : memref<!tpu.dma_semaphore, #tpu.memory_space<semaphore_mem>>) src(%dma_wait3A_29 : memref<10000xi32, #tpu.memory_space<hbm>>) dst(%arg5 : memref<10000xi32, #tpu.memory_space<vmem>>)
      tpu.yield
    }) : () -> ()
    %scan3A = arith.constant 0 : i32
    %scan3A_3 = arith.constant 0 : i32
    %scan3A_4 = arith.constant 11 : i32
    %scan3A_5 = arith.addi %scan3A_3, %scan3A_4 : i32
    %scan3A_6 = arith.constant 1 : i32
    scf.for %scan3A_27 = %scan3A_3 to %scan3A_5 step %scan3A_6  : i32 {
      %gt3A = arith.constant 0 : i32
      %gt3A_28 = arith.cmpi sgt, %scan3A_27, %gt3A : i32
      %convert_element_type3A = arith.extui %gt3A_28 : i1 to i32
      %cond3A = arith.constant 0 : i32
      %cond3A_29 = arith.cmpi ne, %convert_element_type3A, %cond3A : i32
      scf.if %cond3A_29 {
        %dma_wait3A_198 = arith.constant 0 : i32
        %dma_wait3A_199 = tpu.memref_slice %arg4[%mul3A_2, %dma_wait3A_198] : memref<320000x128xf32, #tpu.memory_space<hbm>> -> memref<184x128xf32, #tpu.memory_space<hbm>>
        %dma_wait3A_200 = arith.constant 0 : i32
        %dma_wait3A_201 = tpu.memref_slice %arg4[%mul3A_2, %dma_wait3A_200] : memref<320000x128xf32, #tpu.memory_space<hbm>> -> memref<184x128xf32, #tpu.memory_space<hbm>>
        tpu.wait_dma2 semaphore(%arg16 : memref<!tpu.dma_semaphore, #tpu.memory_space<semaphore_mem>>) src(%arg6 : memref<184x128xf32, #tpu.memory_space<vmem>>) dst(%dma_wait3A_201 : memref<184x128xf32, #tpu.memory_space<hbm>>)
      } else {
      }
      %mul3A_30 = arith.constant 5 : i32
      %mul3A_31 = arith.muli %mul3A_30, %scan3A_27 : i32
      %add3A_32 = arith.constant 0 : i32
      %add3A_33 = arith.addi %mul3A_31, %add3A_32 : i32
      %mul3A_34 = arith.constant 184 : i32
      %mul3A_35 = arith.muli %add3A_33, %mul3A_34 : i32
      %min3A = arith.constant 9816 : i32
      %min3A_36 = arith.minsi %mul3A_35, %min3A : i32
      %dma_start3A = tpu.memref_slice %arg5[%min3A_36] : memref<10000xi32, #tpu.memory_space<vmem>> -> memref<184xi32, #tpu.memory_space<vmem>>
      %dma_start3A_37 = arith.constant 0 : i32
      %dma_start3A_38 = arith.constant 0 : i32
      %dma_start3A_39 = tpu.memref_slice %arg2[%dma_start3A_37, %dma_start3A_38] : memref<10240x128xf32, #tpu.memory_space<hbm>> -> memref<10240x128xf32, #tpu.memory_space<hbm>>
      tpu.enqueue_indirect_dma source(%dma_start3A_39 : memref<10240x128xf32, #tpu.memory_space<hbm>>) target(%arg6 : memref<184x128xf32, #tpu.memory_space<vmem>>) offsets(%dma_start3A : memref<184xi32, #tpu.memory_space<vmem>>) semaphore(%arg11 : memref<!tpu.dma_semaphore, #tpu.memory_space<semaphore_mem>>)
      %gt3A_40 = arith.constant 0 : i32
      %gt3A_41 = arith.cmpi sgt, %scan3A_27, %gt3A_40 : i32
      %convert_element_type3A_42 = arith.extui %gt3A_41 : i1 to i32
      %cond3A_43 = arith.constant 0 : i32
      %cond3A_44 = arith.cmpi ne, %convert_element_type3A_42, %cond3A_43 : i32
      scf.if %cond3A_44 {
        %dma_wait3A_198 = arith.constant 0 : i32
        %dma_wait3A_199 = tpu.memref_slice %arg4[%mul3A_2, %dma_wait3A_198] : memref<320000x128xf32, #tpu.memory_space<hbm>> -> memref<184x128xf32, #tpu.memory_space<hbm>>
        %dma_wait3A_200 = arith.constant 0 : i32
        %dma_wait3A_201 = tpu.memref_slice %arg4[%mul3A_2, %dma_wait3A_200] : memref<320000x128xf32, #tpu.memory_space<hbm>> -> memref<184x128xf32, #tpu.memory_space<hbm>>
        tpu.wait_dma2 semaphore(%arg17 : memref<!tpu.dma_semaphore, #tpu.memory_space<semaphore_mem>>) src(%arg7 : memref<184x128xf32, #tpu.memory_space<vmem>>) dst(%dma_wait3A_201 : memref<184x128xf32, #tpu.memory_space<hbm>>)
      } else {
      }
      %mul3A_45 = arith.constant 5 : i32
      %mul3A_46 = arith.muli %mul3A_45, %scan3A_27 : i32
      %add3A_47 = arith.constant 1 : i32
      %add3A_48 = arith.addi %mul3A_46, %add3A_47 : i32
      %mul3A_49 = arith.constant 184 : i32
      %mul3A_50 = arith.muli %add3A_48, %mul3A_49 : i32
      %min3A_51 = arith.constant 9816 : i32
      %min3A_52 = arith.minsi %mul3A_50, %min3A_51 : i32
      %dma_start3A_53 = tpu.memref_slice %arg5[%min3A_52] : memref<10000xi32, #tpu.memory_space<vmem>> -> memref<184xi32, #tpu.memory_space<vmem>>
      %dma_start3A_54 = arith.constant 0 : i32
      %dma_start3A_55 = arith.constant 0 : i32
      %dma_start3A_56 = tpu.memref_slice %arg2[%dma_start3A_54, %dma_start3A_55] : memref<10240x128xf32, #tpu.memory_space<hbm>> -> memref<10240x128xf32, #tpu.memory_space<hbm>>
      tpu.enqueue_indirect_dma source(%dma_start3A_56 : memref<10240x128xf32, #tpu.memory_space<hbm>>) target(%arg7 : memref<184x128xf32, #tpu.memory_space<vmem>>) offsets(%dma_start3A_53 : memref<184xi32, #tpu.memory_space<vmem>>) semaphore(%arg12 : memref<!tpu.dma_semaphore, #tpu.memory_space<semaphore_mem>>)
      %gt3A_57 = arith.constant 0 : i32
      %gt3A_58 = arith.cmpi sgt, %scan3A_27, %gt3A_57 : i32
      %convert_element_type3A_59 = arith.extui %gt3A_58 : i1 to i32
      %cond3A_60 = arith.constant 0 : i32
      %cond3A_61 = arith.cmpi ne, %convert_element_type3A_59, %cond3A_60 : i32
      scf.if %cond3A_61 {
        %dma_wait3A_198 = arith.constant 0 : i32
        %dma_wait3A_199 = tpu.memref_slice %arg4[%mul3A_2, %dma_wait3A_198] : memref<320000x128xf32, #tpu.memory_space<hbm>> -> memref<184x128xf32, #tpu.memory_space<hbm>>
        %dma_wait3A_200 = arith.constant 0 : i32
        %dma_wait3A_201 = tpu.memref_slice %arg4[%mul3A_2, %dma_wait3A_200] : memref<320000x128xf32, #tpu.memory_space<hbm>> -> memref<184x128xf32, #tpu.memory_space<hbm>>
        tpu.wait_dma2 semaphore(%arg18 : memref<!tpu.dma_semaphore, #tpu.memory_space<semaphore_mem>>) src(%arg8 : memref<184x128xf32, #tpu.memory_space<vmem>>) dst(%dma_wait3A_201 : memref<184x128xf32, #tpu.memory_space<hbm>>)
      } else {
      }
      %mul3A_62 = arith.constant 5 : i32
      %mul3A_63 = arith.muli %mul3A_62, %scan3A_27 : i32
      %add3A_64 = arith.constant 2 : i32
      %add3A_65 = arith.addi %mul3A_63, %add3A_64 : i32
      %mul3A_66 = arith.constant 184 : i32
      %mul3A_67 = arith.muli %add3A_65, %mul3A_66 : i32
      %min3A_68 = arith.constant 9816 : i32
      %min3A_69 = arith.minsi %mul3A_67, %min3A_68 : i32
      %dma_start3A_70 = tpu.memref_slice %arg5[%min3A_69] : memref<10000xi32, #tpu.memory_space<vmem>> -> memref<184xi32, #tpu.memory_space<vmem>>
      %dma_start3A_71 = arith.constant 0 : i32
      %dma_start3A_72 = arith.constant 0 : i32
      %dma_start3A_73 = tpu.memref_slice %arg2[%dma_start3A_71, %dma_start3A_72] : memref<10240x128xf32, #tpu.memory_space<hbm>> -> memref<10240x128xf32, #tpu.memory_space<hbm>>
      tpu.enqueue_indirect_dma source(%dma_start3A_73 : memref<10240x128xf32, #tpu.memory_space<hbm>>) target(%arg8 : memref<184x128xf32, #tpu.memory_space<vmem>>) offsets(%dma_start3A_70 : memref<184xi32, #tpu.memory_space<vmem>>) semaphore(%arg13 : memref<!tpu.dma_semaphore, #tpu.memory_space<semaphore_mem>>)
      %gt3A_74 = arith.constant 0 : i32
      %gt3A_75 = arith.cmpi sgt, %scan3A_27, %gt3A_74 : i32
      %convert_element_type3A_76 = arith.extui %gt3A_75 : i1 to i32
      %cond3A_77 = arith.constant 0 : i32
      %cond3A_78 = arith.cmpi ne, %convert_element_type3A_76, %cond3A_77 : i32
      scf.if %cond3A_78 {
        %dma_wait3A_198 = arith.constant 0 : i32
        %dma_wait3A_199 = tpu.memref_slice %arg4[%mul3A_2, %dma_wait3A_198] : memref<320000x128xf32, #tpu.memory_space<hbm>> -> memref<184x128xf32, #tpu.memory_space<hbm>>
        %dma_wait3A_200 = arith.constant 0 : i32
        %dma_wait3A_201 = tpu.memref_slice %arg4[%mul3A_2, %dma_wait3A_200] : memref<320000x128xf32, #tpu.memory_space<hbm>> -> memref<184x128xf32, #tpu.memory_space<hbm>>
        tpu.wait_dma2 semaphore(%arg19 : memref<!tpu.dma_semaphore, #tpu.memory_space<semaphore_mem>>) src(%arg9 : memref<184x128xf32, #tpu.memory_space<vmem>>) dst(%dma_wait3A_201 : memref<184x128xf32, #tpu.memory_space<hbm>>)
      } else {
      }
      %mul3A_79 = arith.constant 5 : i32
      %mul3A_80 = arith.muli %mul3A_79, %scan3A_27 : i32
      %add3A_81 = arith.constant 3 : i32
      %add3A_82 = arith.addi %mul3A_80, %add3A_81 : i32
      %mul3A_83 = arith.constant 184 : i32
      %mul3A_84 = arith.muli %add3A_82, %mul3A_83 : i32
      %min3A_85 = arith.constant 9816 : i32
      %min3A_86 = arith.minsi %mul3A_84, %min3A_85 : i32
      %dma_start3A_87 = tpu.memref_slice %arg5[%min3A_86] : memref<10000xi32, #tpu.memory_space<vmem>> -> memref<184xi32, #tpu.memory_space<vmem>>
      %dma_start3A_88 = arith.constant 0 : i32
      %dma_start3A_89 = arith.constant 0 : i32
      %dma_start3A_90 = tpu.memref_slice %arg2[%dma_start3A_88, %dma_start3A_89] : memref<10240x128xf32, #tpu.memory_space<hbm>> -> memref<10240x128xf32, #tpu.memory_space<hbm>>
      tpu.enqueue_indirect_dma source(%dma_start3A_90 : memref<10240x128xf32, #tpu.memory_space<hbm>>) target(%arg9 : memref<184x128xf32, #tpu.memory_space<vmem>>) offsets(%dma_start3A_87 : memref<184xi32, #tpu.memory_space<vmem>>) semaphore(%arg14 : memref<!tpu.dma_semaphore, #tpu.memory_space<semaphore_mem>>)
      %gt3A_91 = arith.constant 0 : i32
      %gt3A_92 = arith.cmpi sgt, %scan3A_27, %gt3A_91 : i32
      %convert_element_type3A_93 = arith.extui %gt3A_92 : i1 to i32
      %cond3A_94 = arith.constant 0 : i32
      %cond3A_95 = arith.cmpi ne, %convert_element_type3A_93, %cond3A_94 : i32
      scf.if %cond3A_95 {
        %dma_wait3A_198 = arith.constant 0 : i32
        %dma_wait3A_199 = tpu.memref_slice %arg4[%mul3A_2, %dma_wait3A_198] : memref<320000x128xf32, #tpu.memory_space<hbm>> -> memref<184x128xf32, #tpu.memory_space<hbm>>
        %dma_wait3A_200 = arith.constant 0 : i32
        %dma_wait3A_201 = tpu.memref_slice %arg4[%mul3A_2, %dma_wait3A_200] : memref<320000x128xf32, #tpu.memory_space<hbm>> -> memref<184x128xf32, #tpu.memory_space<hbm>>
        tpu.wait_dma2 semaphore(%arg20 : memref<!tpu.dma_semaphore, #tpu.memory_space<semaphore_mem>>) src(%arg10 : memref<184x128xf32, #tpu.memory_space<vmem>>) dst(%dma_wait3A_201 : memref<184x128xf32, #tpu.memory_space<hbm>>)
      } else {
      }
      %mul3A_96 = arith.constant 5 : i32
      %mul3A_97 = arith.muli %mul3A_96, %scan3A_27 : i32
      %add3A_98 = arith.constant 4 : i32
      %add3A_99 = arith.addi %mul3A_97, %add3A_98 : i32
      %mul3A_100 = arith.constant 184 : i32
      %mul3A_101 = arith.muli %add3A_99, %mul3A_100 : i32
      %min3A_102 = arith.constant 9816 : i32
      %min3A_103 = arith.minsi %mul3A_101, %min3A_102 : i32
      %dma_start3A_104 = tpu.memref_slice %arg5[%min3A_103] : memref<10000xi32, #tpu.memory_space<vmem>> -> memref<184xi32, #tpu.memory_space<vmem>>
      %dma_start3A_105 = arith.constant 0 : i32
      %dma_start3A_106 = arith.constant 0 : i32
      %dma_start3A_107 = tpu.memref_slice %arg2[%dma_start3A_105, %dma_start3A_106] : memref<10240x128xf32, #tpu.memory_space<hbm>> -> memref<10240x128xf32, #tpu.memory_space<hbm>>
      tpu.enqueue_indirect_dma source(%dma_start3A_107 : memref<10240x128xf32, #tpu.memory_space<hbm>>) target(%arg10 : memref<184x128xf32, #tpu.memory_space<vmem>>) offsets(%dma_start3A_104 : memref<184xi32, #tpu.memory_space<vmem>>) semaphore(%arg15 : memref<!tpu.dma_semaphore, #tpu.memory_space<semaphore_mem>>)
      %dma_wait3A_108 = arith.constant 0 : i32
      %dma_wait3A_109 = tpu.memref_slice %arg5[%dma_wait3A_108] : memref<10000xi32, #tpu.memory_space<vmem>> -> memref<184xi32, #tpu.memory_space<vmem>>
      %dma_wait3A_110 = arith.constant 0 : i32
      %dma_wait3A_111 = arith.constant 0 : i32
      %dma_wait3A_112 = tpu.memref_slice %arg2[%dma_wait3A_110, %dma_wait3A_111] : memref<10240x128xf32, #tpu.memory_space<hbm>> -> memref<10240x128xf32, #tpu.memory_space<hbm>>
      tpu.wait_indirect_dma semaphore(%arg11 : memref<!tpu.dma_semaphore, #tpu.memory_space<semaphore_mem>>) src(%dma_wait3A_112 : memref<10240x128xf32, #tpu.memory_space<hbm>>) dst(%arg6 : memref<184x128xf32, #tpu.memory_space<vmem>>)
      %mul3A_113 = arith.constant 5 : i32
      %mul3A_114 = arith.muli %mul3A_113, %scan3A_27 : i32
      %add3A_115 = arith.constant 0 : i32
      %add3A_116 = arith.addi %mul3A_114, %add3A_115 : i32
      %mul3A_117 = arith.constant 184 : i32
      %mul3A_118 = arith.muli %add3A_116, %mul3A_117 : i32
      %min3A_119 = arith.constant 9816 : i32
      %min3A_120 = arith.minsi %mul3A_118, %min3A_119 : i32
      %add3A_121 = arith.addi %mul3A_2, %min3A_120 : i32
      %dma_start3A_122 = arith.constant 0 : i32
      %dma_start3A_123 = tpu.memref_slice %arg4[%add3A_121, %dma_start3A_122] : memref<320000x128xf32, #tpu.memory_space<hbm>> -> memref<184x128xf32, #tpu.memory_space<hbm>>
      %dma_start3A_124 = arith.constant 0 : i32
      %dma_start3A_125 = tpu.memref_slice %arg4[%add3A_121, %dma_start3A_124] : memref<320000x128xf32, #tpu.memory_space<hbm>> -> memref<184x128xf32, #tpu.memory_space<hbm>>
      tpu.enqueue_dma source(%arg6 : memref<184x128xf32, #tpu.memory_space<vmem>>) target(%dma_start3A_125 : memref<184x128xf32, #tpu.memory_space<hbm>>) target_semaphore(%arg16 : memref<!tpu.dma_semaphore, #tpu.memory_space<semaphore_mem>>)
      %dma_wait3A_126 = arith.constant 0 : i32
      %dma_wait3A_127 = tpu.memref_slice %arg5[%dma_wait3A_126] : memref<10000xi32, #tpu.memory_space<vmem>> -> memref<184xi32, #tpu.memory_space<vmem>>
      %dma_wait3A_128 = arith.constant 0 : i32
      %dma_wait3A_129 = arith.constant 0 : i32
      %dma_wait3A_130 = tpu.memref_slice %arg2[%dma_wait3A_128, %dma_wait3A_129] : memref<10240x128xf32, #tpu.memory_space<hbm>> -> memref<10240x128xf32, #tpu.memory_space<hbm>>
      tpu.wait_indirect_dma semaphore(%arg12 : memref<!tpu.dma_semaphore, #tpu.memory_space<semaphore_mem>>) src(%dma_wait3A_130 : memref<10240x128xf32, #tpu.memory_space<hbm>>) dst(%arg7 : memref<184x128xf32, #tpu.memory_space<vmem>>)
      %mul3A_131 = arith.constant 5 : i32
      %mul3A_132 = arith.muli %mul3A_131, %scan3A_27 : i32
      %add3A_133 = arith.constant 1 : i32
      %add3A_134 = arith.addi %mul3A_132, %add3A_133 : i32
      %mul3A_135 = arith.constant 184 : i32
      %mul3A_136 = arith.muli %add3A_134, %mul3A_135 : i32
      %min3A_137 = arith.constant 9816 : i32
      %min3A_138 = arith.minsi %mul3A_136, %min3A_137 : i32
      %add3A_139 = arith.addi %mul3A_2, %min3A_138 : i32
      %dma_start3A_140 = arith.constant 0 : i32
      %dma_start3A_141 = tpu.memref_slice %arg4[%add3A_139, %dma_start3A_140] : memref<320000x128xf32, #tpu.memory_space<hbm>> -> memref<184x128xf32, #tpu.memory_space<hbm>>
      %dma_start3A_142 = arith.constant 0 : i32
      %dma_start3A_143 = tpu.memref_slice %arg4[%add3A_139, %dma_start3A_142] : memref<320000x128xf32, #tpu.memory_space<hbm>> -> memref<184x128xf32, #tpu.memory_space<hbm>>
      tpu.enqueue_dma source(%arg7 : memref<184x128xf32, #tpu.memory_space<vmem>>) target(%dma_start3A_143 : memref<184x128xf32, #tpu.memory_space<hbm>>) target_semaphore(%arg17 : memref<!tpu.dma_semaphore, #tpu.memory_space<semaphore_mem>>)
      %dma_wait3A_144 = arith.constant 0 : i32
      %dma_wait3A_145 = tpu.memref_slice %arg5[%dma_wait3A_144] : memref<10000xi32, #tpu.memory_space<vmem>> -> memref<184xi32, #tpu.memory_space<vmem>>
      %dma_wait3A_146 = arith.constant 0 : i32
      %dma_wait3A_147 = arith.constant 0 : i32
      %dma_wait3A_148 = tpu.memref_slice %arg2[%dma_wait3A_146, %dma_wait3A_147] : memref<10240x128xf32, #tpu.memory_space<hbm>> -> memref<10240x128xf32, #tpu.memory_space<hbm>>
      tpu.wait_indirect_dma semaphore(%arg13 : memref<!tpu.dma_semaphore, #tpu.memory_space<semaphore_mem>>) src(%dma_wait3A_148 : memref<10240x128xf32, #tpu.memory_space<hbm>>) dst(%arg8 : memref<184x128xf32, #tpu.memory_space<vmem>>)
      %mul3A_149 = arith.constant 5 : i32
      %mul3A_150 = arith.muli %mul3A_149, %scan3A_27 : i32
      %add3A_151 = arith.constant 2 : i32
      %add3A_152 = arith.addi %mul3A_150, %add3A_151 : i32
      %mul3A_153 = arith.constant 184 : i32
      %mul3A_154 = arith.muli %add3A_152, %mul3A_153 : i32
      %min3A_155 = arith.constant 9816 : i32
      %min3A_156 = arith.minsi %mul3A_154, %min3A_155 : i32
      %add3A_157 = arith.addi %mul3A_2, %min3A_156 : i32
      %dma_start3A_158 = arith.constant 0 : i32
      %dma_start3A_159 = tpu.memref_slice %arg4[%add3A_157, %dma_start3A_158] : memref<320000x128xf32, #tpu.memory_space<hbm>> -> memref<184x128xf32, #tpu.memory_space<hbm>>
      %dma_start3A_160 = arith.constant 0 : i32
      %dma_start3A_161 = tpu.memref_slice %arg4[%add3A_157, %dma_start3A_160] : memref<320000x128xf32, #tpu.memory_space<hbm>> -> memref<184x128xf32, #tpu.memory_space<hbm>>
      tpu.enqueue_dma source(%arg8 : memref<184x128xf32, #tpu.memory_space<vmem>>) target(%dma_start3A_161 : memref<184x128xf32, #tpu.memory_space<hbm>>) target_semaphore(%arg18 : memref<!tpu.dma_semaphore, #tpu.memory_space<semaphore_mem>>)
      %dma_wait3A_162 = arith.constant 0 : i32
      %dma_wait3A_163 = tpu.memref_slice %arg5[%dma_wait3A_162] : memref<10000xi32, #tpu.memory_space<vmem>> -> memref<184xi32, #tpu.memory_space<vmem>>
      %dma_wait3A_164 = arith.constant 0 : i32
      %dma_wait3A_165 = arith.constant 0 : i32
      %dma_wait3A_166 = tpu.memref_slice %arg2[%dma_wait3A_164, %dma_wait3A_165] : memref<10240x128xf32, #tpu.memory_space<hbm>> -> memref<10240x128xf32, #tpu.memory_space<hbm>>
      tpu.wait_indirect_dma semaphore(%arg14 : memref<!tpu.dma_semaphore, #tpu.memory_space<semaphore_mem>>) src(%dma_wait3A_166 : memref<10240x128xf32, #tpu.memory_space<hbm>>) dst(%arg9 : memref<184x128xf32, #tpu.memory_space<vmem>>)
      %mul3A_167 = arith.constant 5 : i32
      %mul3A_168 = arith.muli %mul3A_167, %scan3A_27 : i32
      %add3A_169 = arith.constant 3 : i32
      %add3A_170 = arith.addi %mul3A_168, %add3A_169 : i32
      %mul3A_171 = arith.constant 184 : i32
      %mul3A_172 = arith.muli %add3A_170, %mul3A_171 : i32
      %min3A_173 = arith.constant 9816 : i32
      %min3A_174 = arith.minsi %mul3A_172, %min3A_173 : i32
      %add3A_175 = arith.addi %mul3A_2, %min3A_174 : i32
      %dma_start3A_176 = arith.constant 0 : i32
      %dma_start3A_177 = tpu.memref_slice %arg4[%add3A_175, %dma_start3A_176] : memref<320000x128xf32, #tpu.memory_space<hbm>> -> memref<184x128xf32, #tpu.memory_space<hbm>>
      %dma_start3A_178 = arith.constant 0 : i32
      %dma_start3A_179 = tpu.memref_slice %arg4[%add3A_175, %dma_start3A_178] : memref<320000x128xf32, #tpu.memory_space<hbm>> -> memref<184x128xf32, #tpu.memory_space<hbm>>
      tpu.enqueue_dma source(%arg9 : memref<184x128xf32, #tpu.memory_space<vmem>>) target(%dma_start3A_179 : memref<184x128xf32, #tpu.memory_space<hbm>>) target_semaphore(%arg19 : memref<!tpu.dma_semaphore, #tpu.memory_space<semaphore_mem>>)
      %dma_wait3A_180 = arith.constant 0 : i32
      %dma_wait3A_181 = tpu.memref_slice %arg5[%dma_wait3A_180] : memref<10000xi32, #tpu.memory_space<vmem>> -> memref<184xi32, #tpu.memory_space<vmem>>
      %dma_wait3A_182 = arith.constant 0 : i32
      %dma_wait3A_183 = arith.constant 0 : i32
      %dma_wait3A_184 = tpu.memref_slice %arg2[%dma_wait3A_182, %dma_wait3A_183] : memref<10240x128xf32, #tpu.memory_space<hbm>> -> memref<10240x128xf32, #tpu.memory_space<hbm>>
      tpu.wait_indirect_dma semaphore(%arg15 : memref<!tpu.dma_semaphore, #tpu.memory_space<semaphore_mem>>) src(%dma_wait3A_184 : memref<10240x128xf32, #tpu.memory_space<hbm>>) dst(%arg10 : memref<184x128xf32, #tpu.memory_space<vmem>>)
      %mul3A_185 = arith.constant 5 : i32
      %mul3A_186 = arith.muli %mul3A_185, %scan3A_27 : i32
      %add3A_187 = arith.constant 4 : i32
      %add3A_188 = arith.addi %mul3A_186, %add3A_187 : i32
      %mul3A_189 = arith.constant 184 : i32
      %mul3A_190 = arith.muli %add3A_188, %mul3A_189 : i32
      %min3A_191 = arith.constant 9816 : i32
      %min3A_192 = arith.minsi %mul3A_190, %min3A_191 : i32
      %add3A_193 = arith.addi %mul3A_2, %min3A_192 : i32
      %dma_start3A_194 = arith.constant 0 : i32
      %dma_start3A_195 = tpu.memref_slice %arg4[%add3A_193, %dma_start3A_194] : memref<320000x128xf32, #tpu.memory_space<hbm>> -> memref<184x128xf32, #tpu.memory_space<hbm>>
      %dma_start3A_196 = arith.constant 0 : i32
      %dma_start3A_197 = tpu.memref_slice %arg4[%add3A_193, %dma_start3A_196] : memref<320000x128xf32, #tpu.memory_space<hbm>> -> memref<184x128xf32, #tpu.memory_space<hbm>>
      tpu.enqueue_dma source(%arg10 : memref<184x128xf32, #tpu.memory_space<vmem>>) target(%dma_start3A_197 : memref<184x128xf32, #tpu.memory_space<hbm>>) target_semaphore(%arg20 : memref<!tpu.dma_semaphore, #tpu.memory_space<semaphore_mem>>)
    }
    %scan3A_7 = arith.constant 11 : i32
    %dma_wait3A = arith.constant 0 : i32
    %dma_wait3A_8 = tpu.memref_slice %arg4[%mul3A_2, %dma_wait3A] : memref<320000x128xf32, #tpu.memory_space<hbm>> -> memref<184x128xf32, #tpu.memory_space<hbm>>
    %dma_wait3A_9 = arith.constant 0 : i32
    %dma_wait3A_10 = tpu.memref_slice %arg4[%mul3A_2, %dma_wait3A_9] : memref<320000x128xf32, #tpu.memory_space<hbm>> -> memref<184x128xf32, #tpu.memory_space<hbm>>
    tpu.wait_dma2 semaphore(%arg16 : memref<!tpu.dma_semaphore, #tpu.memory_space<semaphore_mem>>) src(%arg6 : memref<184x128xf32, #tpu.memory_space<vmem>>) dst(%dma_wait3A_10 : memref<184x128xf32, #tpu.memory_space<hbm>>)
    %dma_wait3A_11 = arith.constant 0 : i32
    %dma_wait3A_12 = tpu.memref_slice %arg4[%mul3A_2, %dma_wait3A_11] : memref<320000x128xf32, #tpu.memory_space<hbm>> -> memref<184x128xf32, #tpu.memory_space<hbm>>
    %dma_wait3A_13 = arith.constant 0 : i32
    %dma_wait3A_14 = tpu.memref_slice %arg4[%mul3A_2, %dma_wait3A_13] : memref<320000x128xf32, #tpu.memory_space<hbm>> -> memref<184x128xf32, #tpu.memory_space<hbm>>
    tpu.wait_dma2 semaphore(%arg17 : memref<!tpu.dma_semaphore, #tpu.memory_space<semaphore_mem>>) src(%arg7 : memref<184x128xf32, #tpu.memory_space<vmem>>) dst(%dma_wait3A_14 : memref<184x128xf32, #tpu.memory_space<hbm>>)
    %dma_wait3A_15 = arith.constant 0 : i32
    %dma_wait3A_16 = tpu.memref_slice %arg4[%mul3A_2, %dma_wait3A_15] : memref<320000x128xf32, #tpu.memory_space<hbm>> -> memref<184x128xf32, #tpu.memory_space<hbm>>
    %dma_wait3A_17 = arith.constant 0 : i32
    %dma_wait3A_18 = tpu.memref_slice %arg4[%mul3A_2, %dma_wait3A_17] : memref<320000x128xf32, #tpu.memory_space<hbm>> -> memref<184x128xf32, #tpu.memory_space<hbm>>
    tpu.wait_dma2 semaphore(%arg18 : memref<!tpu.dma_semaphore, #tpu.memory_space<semaphore_mem>>) src(%arg8 : memref<184x128xf32, #tpu.memory_space<vmem>>) dst(%dma_wait3A_18 : memref<184x128xf32, #tpu.memory_space<hbm>>)
    %dma_wait3A_19 = arith.constant 0 : i32
    %dma_wait3A_20 = tpu.memref_slice %arg4[%mul3A_2, %dma_wait3A_19] : memref<320000x128xf32, #tpu.memory_space<hbm>> -> memref<184x128xf32, #tpu.memory_space<hbm>>
    %dma_wait3A_21 = arith.constant 0 : i32
    %dma_wait3A_22 = tpu.memref_slice %arg4[%mul3A_2, %dma_wait3A_21] : memref<320000x128xf32, #tpu.memory_space<hbm>> -> memref<184x128xf32, #tpu.memory_space<hbm>>
    tpu.wait_dma2 semaphore(%arg19 : memref<!tpu.dma_semaphore, #tpu.memory_space<semaphore_mem>>) src(%arg9 : memref<184x128xf32, #tpu.memory_space<vmem>>) dst(%dma_wait3A_22 : memref<184x128xf32, #tpu.memory_space<hbm>>)
    %dma_wait3A_23 = arith.constant 0 : i32
    %dma_wait3A_24 = tpu.memref_slice %arg4[%mul3A_2, %dma_wait3A_23] : memref<320000x128xf32, #tpu.memory_space<hbm>> -> memref<184x128xf32, #tpu.memory_space<hbm>>
    %dma_wait3A_25 = arith.constant 0 : i32
    %dma_wait3A_26 = tpu.memref_slice %arg4[%mul3A_2, %dma_wait3A_25] : memref<320000x128xf32, #tpu.memory_space<hbm>> -> memref<184x128xf32, #tpu.memory_space<hbm>>
    tpu.wait_dma2 semaphore(%arg20 : memref<!tpu.dma_semaphore, #tpu.memory_space<semaphore_mem>>) src(%arg10 : memref<184x128xf32, #tpu.memory_space<vmem>>) dst(%dma_wait3A_26 : memref<184x128xf32, #tpu.memory_space<hbm>>)
    return
  }
}

module attributes {stable_mosaic.version = 14 : i64} {
  func.func @_tc_body(%arg0: i32, %arg1: memref<80x1x4000xi32, #tpu.memory_space<vmem>>, %arg2: memref<4000x128xf32, #tpu.memory_space<vmem>>, %arg3: memref<128x128xf32, #tpu.memory_space<vmem>>, %arg4: memref<1x128xf32, #tpu.memory_space<vmem>>, %arg5: memref<128x128xf32, #tpu.memory_space<vmem>>, %arg6: memref<1x128xf32, #tpu.memory_space<vmem>>, %arg7: memref<128x128xf32, #tpu.memory_space<vmem>>, %arg8: memref<1x128xf32, #tpu.memory_space<vmem>>, %arg9: memref<10240x128xf32, #tpu.memory_space<vmem>>, %arg10: memref<10240x256xf32, #tpu.memory_space<vmem>>) attributes {dimension_semantics = [#tpu.dimension_semantics<arbitrary>], iteration_bounds = array<i64: 80>, scalar_prefetch = 0 : i64, scratch_operands = 1 : i64, tpu.core_type = #tpu.core_type<tc>, window_params = [{pipeline_mode = #tpu.pipeline_mode<synchronous>, transform_indices = @transform_0, window_bounds = array<i64: 80, 1, 4000>}, {transform_indices = @transform_1, window_bounds = array<i64: 4000, 128>}, {pipeline_mode = #tpu.pipeline_mode<synchronous>, transform_indices = @transform_2, window_bounds = array<i64: 128, 128>}, {pipeline_mode = #tpu.pipeline_mode<synchronous>, transform_indices = @transform_3, window_bounds = array<i64: 1, 128>}, {pipeline_mode = #tpu.pipeline_mode<synchronous>, transform_indices = @transform_4, window_bounds = array<i64: 128, 128>}, {pipeline_mode = #tpu.pipeline_mode<synchronous>, transform_indices = @transform_5, window_bounds = array<i64: 1, 128>}, {pipeline_mode = #tpu.pipeline_mode<synchronous>, transform_indices = @transform_6, window_bounds = array<i64: 128, 128>}, {pipeline_mode = #tpu.pipeline_mode<synchronous>, transform_indices = @transform_7, window_bounds = array<i64: 1, 128>}, {pipeline_mode = #tpu.pipeline_mode<synchronous>, transform_indices = @transform_8, window_bounds = array<i64: 10240, 128>}]} {
    %eq3A = arith.constant 0 : i32
    %eq3A_0 = arith.cmpi eq, %arg0, %eq3A : i32
    %convert_element_type3A = arith.extui %eq3A_0 : i1 to i32
    %cond3A = arith.constant 0 : i32
    %cond3A_1 = arith.cmpi ne, %convert_element_type3A, %cond3A : i32
    scf.if %cond3A_1 {
      %broadcast_in_dim3A = arith.constant 0.000000e+00 : f32
      %broadcast_in_dim3A_88 = vector.broadcast %broadcast_in_dim3A : f32 to vector<10240x256xf32>
      %swap3A = arith.constant 0 : index
      %swap3A_89 = arith.constant 0 : index
      %swap3A_90 = vector.load %arg10[%swap3A, %swap3A_89] : memref<10240x256xf32, #tpu.memory_space<vmem>>, vector<10240x256xf32>
      tpu.vector_store %arg10[%swap3A, %swap3A_89], %broadcast_in_dim3A_88 {strides = array<i32>} : memref<10240x256xf32, #tpu.memory_space<vmem>>, vector<10240x256xf32>,
    } else {
    }
    %get3A = arith.constant 0 : index
    %get3A_2 = arith.constant 0 : index
    %get3A_3 = vector.load %arg2[%get3A, %get3A_2] : memref<4000x128xf32, #tpu.memory_space<vmem>>, vector<4000x128xf32>
    %convert_element_type3A_4 = arith.truncf %get3A_3 : vector<4000x128xf32> to vector<4000x128xbf16>
    %get3A_5 = arith.constant 0 : index
    %get3A_6 = arith.constant 0 : index
    %get3A_7 = vector.load %arg3[%get3A_5, %get3A_6] : memref<128x128xf32, #tpu.memory_space<vmem>>, vector<128x128xf32>
    %convert_element_type3A_8 = arith.truncf %get3A_7 : vector<128x128xf32> to vector<128x128xbf16>
    %dot_general3A = arith.constant dense<0.000000e+00> : vector<4000x128xf32>
    %dot_general3A_9 = tpu.matmul %convert_element_type3A_4, %convert_element_type3A_8, %dot_general3A {dimension_numbers = #tpu.dot_dimension_numbers<[1], [0], [0], [1], [0, 0, 1, 1], [], []>, transpose_lhs_hint = false} : vector<4000x128xbf16>, vector<128x128xbf16>, vector<4000x128xf32> -> vector<4000x128xf32>
    %get3A_10 = arith.constant 0 : index
    %get3A_11 = arith.constant 0 : index
    %get3A_12 = vector.load %arg4[%get3A_10, %get3A_11] : memref<1x128xf32, #tpu.memory_space<vmem>>, vector<1x128xf32>
    %add3A = vector.broadcast %get3A_12 : vector<1x128xf32> to vector<4000x128xf32>
    %add3A_13 = arith.addf %dot_general3A_9, %add3A : vector<4000x128xf32>
    %exp3A = math.exp %add3A_13 : vector<4000x128xf32>
    %get3A_14 = arith.constant 0 : index
    %get3A_15 = arith.constant 0 : index
    %get3A_16 = vector.load %arg5[%get3A_14, %get3A_15] : memref<128x128xf32, #tpu.memory_space<vmem>>, vector<128x128xf32>
    %convert_element_type3A_17 = arith.truncf %get3A_16 : vector<128x128xf32> to vector<128x128xbf16>
    %dot_general3A_18 = arith.constant dense<0.000000e+00> : vector<4000x128xf32>
    %dot_general3A_19 = tpu.matmul %convert_element_type3A_4, %convert_element_type3A_17, %dot_general3A_18 {dimension_numbers = #tpu.dot_dimension_numbers<[1], [0], [0], [1], [0, 0, 1, 1], [], []>, transpose_lhs_hint = false} : vector<4000x128xbf16>, vector<128x128xbf16>, vector<4000x128xf32> -> vector<4000x128xf32>
    %get3A_20 = arith.constant 0 : index
    %get3A_21 = arith.constant 0 : index
    %get3A_22 = vector.load %arg6[%get3A_20, %get3A_21] : memref<1x128xf32, #tpu.memory_space<vmem>>, vector<1x128xf32>
    %add3A_23 = vector.broadcast %get3A_22 : vector<1x128xf32> to vector<4000x128xf32>
    %add3A_24 = arith.addf %dot_general3A_19, %add3A_23 : vector<4000x128xf32>
    %mul3A = arith.mulf %exp3A, %add3A_24 : vector<4000x128xf32>
    %concatenate3A = tpu.concatenate %mul3A, %exp3A in 1 : vector<4000x128xf32>, vector<4000x128xf32> -> vector<4000x256xf32>
    %convert_element_type3A_25 = arith.truncf %concatenate3A : vector<4000x256xf32> to vector<4000x256xbf16>
    %get3A_26 = arith.index_cast %arg0 : i32 to index
    %get3A_27 = arith.constant 0 : index
    %get3A_28 = arith.constant 0 : index
    %get3A_29 = vector.load %arg1[%get3A_26, %get3A_27, %get3A_28] : memref<80x1x4000xi32, #tpu.memory_space<vmem>>, vector<1x1x4000xi32>
    %get3A_30 = vector.shape_cast %get3A_29 : vector<1x1x4000xi32> to vector<1x4000xi32>
    %reduce_min3A = vector.shape_cast %get3A_30 : vector<1x4000xi32> to vector<1x1x4000xi32>
    %reduce_min3A_31 = arith.constant dense<2147483647> : vector<1xi32>
    %reduce_min3A_32 = vector.multi_reduction <minsi>, %reduce_min3A, %reduce_min3A_31 [1, 2] : vector<1x1x4000xi32> to vector<1xi32>
    %reduce_min3A_33 = vector.shape_cast %reduce_min3A_32 : vector<1xi32> to vector<1x1x1xi32>
    %reduce_min3A_34 = vector.extract %reduce_min3A_33[0, 0, 0] : i32 from vector<1x1x1xi32>
    %reduce_max3A = vector.shape_cast %get3A_30 : vector<1x4000xi32> to vector<1x1x4000xi32>
    %reduce_max3A_35 = arith.constant dense<-2147483648> : vector<1xi32>
    %reduce_max3A_36 = vector.multi_reduction <maxsi>, %reduce_max3A, %reduce_max3A_35 [1, 2] : vector<1x1x4000xi32> to vector<1xi32>
    %reduce_max3A_37 = vector.shape_cast %reduce_max3A_36 : vector<1xi32> to vector<1x1x1xi32>
    %reduce_max3A_38 = vector.extract %reduce_max3A_37[0, 0, 0] : i32 from vector<1x1x1xi32>
    %jit3A = arith.constant 8 : i32
    %eq3A_39 = arith.constant 0 : i32
    %eq3A_40 = arith.cmpi eq, %jit3A, %eq3A_39 : i32
    %jit3A_41 = arith.constant 1 : i32
    %select_n3A = arith.select %eq3A_40, %jit3A_41, %jit3A : i32
    %rem3A = arith.remsi %reduce_min3A_34, %select_n3A : i32
    %ne3A = arith.constant 0 : i32
    %ne3A_42 = arith.cmpi ne, %rem3A, %ne3A : i32
    %lt3A = arith.constant 0 : i32
    %lt3A_43 = arith.cmpi slt, %rem3A, %lt3A : i32
    %lt3A_44 = arith.constant 0 : i32
    %lt3A_45 = arith.cmpi slt, %select_n3A, %lt3A_44 : i32
    %ne3A_46 = arith.xori %lt3A_43, %lt3A_45 : i1
    %and3A = arith.andi %ne3A_46, %ne3A_42 : i1
    %add3A_47 = arith.addi %rem3A, %select_n3A : i32
    %select_n3A_48 = arith.select %and3A, %add3A_47, %rem3A : i32
    %sub3A = arith.subi %reduce_min3A_34, %select_n3A_48 : i32
    %sub3A_49 = arith.subi %reduce_max3A_38, %sub3A : i32
    %jit3A_50 = arith.constant 160 : i32
    %div3A = arith.divsi %sub3A_49, %jit3A_50 : i32
    %sign3A = arith.constant 0 : i32
    %sign3A_51 = arith.cmpi sgt, %sub3A_49, %sign3A : i32
    %sign3A_52 = arith.extui %sign3A_51 : i1 to i32
    %sign3A_53 = arith.constant 0 : i32
    %sign3A_54 = arith.cmpi slt, %sub3A_49, %sign3A_53 : i32
    %sign3A_55 = arith.extui %sign3A_54 : i1 to i32
    %sign3A_56 = arith.subi %sign3A_52, %sign3A_55 : i32
    %sign3A_57 = arith.constant 0 : i32
    %sign3A_58 = arith.cmpi sgt, %jit3A_50, %sign3A_57 : i32
    %sign3A_59 = arith.extui %sign3A_58 : i1 to i32
    %sign3A_60 = arith.constant 0 : i32
    %sign3A_61 = arith.cmpi slt, %jit3A_50, %sign3A_60 : i32
    %sign3A_62 = arith.extui %sign3A_61 : i1 to i32
    %sign3A_63 = arith.subi %sign3A_59, %sign3A_62 : i32
    %ne3A_64 = arith.cmpi ne, %sign3A_56, %sign3A_63 : i32
    %rem3A_65 = arith.remsi %sub3A_49, %jit3A_50 : i32
    %ne3A_66 = arith.constant 0 : i32
    %ne3A_67 = arith.cmpi ne, %rem3A_65, %ne3A_66 : i32
    %and3A_68 = arith.andi %ne3A_64, %ne3A_67 : i1
    %sub3A_69 = arith.constant 1 : i32
    %sub3A_70 = arith.subi %div3A, %sub3A_69 : i32
    %select_n3A_71 = arith.select %and3A_68, %sub3A_70, %div3A : i32
    %add3A_72 = arith.constant 1 : i32
    %add3A_73 = arith.addi %select_n3A_71, %add3A_72 : i32
    %while3A = arith.constant 0 : i32
    %while3A_74 = arith.constant 0 : i32
    %while3A_75 = arith.subi %add3A_73, %while3A_74 : i32
    %while3A_76 = arith.addi %while3A_74, %while3A_75 : i32
    %while3A_77 = arith.constant 1 : i32
    %while3A_78 = arith.divsi %while3A_75, %while3A_77 : i32
    %while3A_79 = arith.muli %while3A_78, %while3A_77 : i32
    %while3A_80 = arith.addi %while3A_74, %while3A_79 : i32
    %while3A_81 = arith.constant 1 : i32
    scf.for %while3A_88 = %while3A_74 to %while3A_80 step %while3A_81  : i32 {
      %mul3A_89 = arith.constant 160 : i32
      %mul3A_90 = arith.muli %while3A_88, %mul3A_89 : i32
      %add3A_91 = arith.addi %sub3A, %mul3A_90 : i32
      %multiple_of3A = tpu.assume_multiple %add3A_91, 8 : i32
      %iota3A = tpu.iota {dimensions = array<i32: 0>} : vector<160x4000xi32>
      %add3A_92 = vector.broadcast %multiple_of3A : i32 to vector<160x4000xi32>
      %add3A_93 = arith.addi %add3A_92, %iota3A : vector<160x4000xi32>
      %eq3A_94 = vector.broadcast %get3A_30 : vector<1x4000xi32> to vector<160x4000xi32>
      %eq3A_95 = arith.cmpi eq, %add3A_93, %eq3A_94 : vector<160x4000xi32>
      %convert_element_type3A_96 = arith.extui %eq3A_95 : vector<160x4000xi1> to vector<160x4000xi32>
      %convert_element_type3A_97 = arith.sitofp %convert_element_type3A_96 : vector<160x4000xi32> to vector<160x4000xf32>
      %convert_element_type3A_98 = arith.truncf %convert_element_type3A_97 : vector<160x4000xf32> to vector<160x4000xbf16>
      %dot_general3A_99 = arith.constant dense<0.000000e+00> : vector<160x256xf32>
      %dot_general3A_100 = tpu.matmul %convert_element_type3A_98, %convert_element_type3A_25, %dot_general3A_99 {dimension_numbers = #tpu.dot_dimension_numbers<[1], [0], [0], [1], [0, 0, 1, 1], [], []>, transpose_lhs_hint = false} : vector<160x4000xbf16>, vector<4000x256xbf16>, vector<160x256xf32> -> vector<160x256xf32>
      %get3A_101 = arith.index_cast %multiple_of3A : i32 to index
      %get3A_102 = arith.constant 0 : index
      %get3A_103 = vector.load %arg10[%get3A_101, %get3A_102] : memref<10240x256xf32, #tpu.memory_space<vmem>>, vector<160x256xf32>
      %add3A_104 = arith.addf %get3A_103, %dot_general3A_100 : vector<160x256xf32>
      %swap3A = arith.index_cast %multiple_of3A : i32 to index
      %swap3A_105 = arith.constant 0 : index
      %swap3A_106 = vector.load %arg10[%swap3A, %swap3A_105] : memref<10240x256xf32, #tpu.memory_space<vmem>>, vector<160x256xf32>
      tpu.vector_store %arg10[%swap3A, %swap3A_105], %add3A_104 {strides = array<i32>} : memref<10240x256xf32, #tpu.memory_space<vmem>>, vector<160x256xf32>,
    }
    %while3A_82 = arith.constant 1 : i32
    scf.for %while3A_88 = %while3A_80 to %while3A_76 step %while3A_82  : i32 {
      %mul3A_89 = arith.constant 160 : i32
      %mul3A_90 = arith.muli %while3A_88, %mul3A_89 : i32
      %add3A_91 = arith.addi %sub3A, %mul3A_90 : i32
      %multiple_of3A = tpu.assume_multiple %add3A_91, 8 : i32
      %iota3A = tpu.iota {dimensions = array<i32: 0>} : vector<160x4000xi32>
      %add3A_92 = vector.broadcast %multiple_of3A : i32 to vector<160x4000xi32>
      %add3A_93 = arith.addi %add3A_92, %iota3A : vector<160x4000xi32>
      %eq3A_94 = vector.broadcast %get3A_30 : vector<1x4000xi32> to vector<160x4000xi32>
      %eq3A_95 = arith.cmpi eq, %add3A_93, %eq3A_94 : vector<160x4000xi32>
      %convert_element_type3A_96 = arith.extui %eq3A_95 : vector<160x4000xi1> to vector<160x4000xi32>
      %convert_element_type3A_97 = arith.sitofp %convert_element_type3A_96 : vector<160x4000xi32> to vector<160x4000xf32>
      %convert_element_type3A_98 = arith.truncf %convert_element_type3A_97 : vector<160x4000xf32> to vector<160x4000xbf16>
      %dot_general3A_99 = arith.constant dense<0.000000e+00> : vector<160x256xf32>
      %dot_general3A_100 = tpu.matmul %convert_element_type3A_98, %convert_element_type3A_25, %dot_general3A_99 {dimension_numbers = #tpu.dot_dimension_numbers<[1], [0], [0], [1], [0, 0, 1, 1], [], []>, transpose_lhs_hint = false} : vector<160x4000xbf16>, vector<4000x256xbf16>, vector<160x256xf32> -> vector<160x256xf32>
      %get3A_101 = arith.index_cast %multiple_of3A : i32 to index
      %get3A_102 = arith.constant 0 : index
      %get3A_103 = vector.load %arg10[%get3A_101, %get3A_102] : memref<10240x256xf32, #tpu.memory_space<vmem>>, vector<160x256xf32>
      %add3A_104 = arith.addf %get3A_103, %dot_general3A_100 : vector<160x256xf32>
      %swap3A = arith.index_cast %multiple_of3A : i32 to index
      %swap3A_105 = arith.constant 0 : index
      %swap3A_106 = vector.load %arg10[%swap3A, %swap3A_105] : memref<10240x256xf32, #tpu.memory_space<vmem>>, vector<160x256xf32>
      tpu.vector_store %arg10[%swap3A, %swap3A_105], %add3A_104 {strides = array<i32>} : memref<10240x256xf32, #tpu.memory_space<vmem>>, vector<160x256xf32>,
    }
    %eq3A_83 = arith.constant 79 : i32
    %eq3A_84 = arith.cmpi eq, %arg0, %eq3A_83 : i32
    %convert_element_type3A_85 = arith.extui %eq3A_84 : i1 to i32
    %cond3A_86 = arith.constant 0 : i32
    %cond3A_87 = arith.cmpi ne, %convert_element_type3A_85, %cond3A_86 : i32
    scf.if %cond3A_87 {
      %get3A_88 = arith.constant 0 : index
      %get3A_89 = arith.constant 0 : index
      %get3A_90 = vector.load %arg10[%get3A_88, %get3A_89] : memref<10240x256xf32, #tpu.memory_space<vmem>>, vector<10240x128xf32>
      %get3A_91 = arith.constant 0 : index
      %get3A_92 = arith.constant 128 : index
      %get3A_93 = vector.load %arg10[%get3A_91, %get3A_92] : memref<10240x256xf32, #tpu.memory_space<vmem>>, vector<10240x128xf32>
      %add3A_94 = arith.constant 9.99999996E-13 : f32
      %add3A_95 = vector.broadcast %add3A_94 : f32 to vector<10240x128xf32>
      %add3A_96 = arith.addf %get3A_93, %add3A_95 : vector<10240x128xf32>
      %div3A_97 = arith.divf %get3A_90, %add3A_96 : vector<10240x128xf32>
      %get3A_98 = arith.constant 0 : index
      %get3A_99 = arith.constant 0 : index
      %get3A_100 = vector.load %arg7[%get3A_98, %get3A_99] : memref<128x128xf32, #tpu.memory_space<vmem>>, vector<128x128xf32>
      %dot_general3A_101 = arith.constant dense<0.000000e+00> : vector<10240x128xf32>
      %dot_general3A_102 = tpu.matmul %div3A_97, %get3A_100, %dot_general3A_101 {dimension_numbers = #tpu.dot_dimension_numbers<[1], [0], [0], [1], [0, 0, 1, 1], [], []>, transpose_lhs_hint = false} : vector<10240x128xf32>, vector<128x128xf32>, vector<10240x128xf32> -> vector<10240x128xf32>
      %get3A_103 = arith.constant 0 : index
      %get3A_104 = arith.constant 0 : index
      %get3A_105 = vector.load %arg8[%get3A_103, %get3A_104] : memref<1x128xf32, #tpu.memory_space<vmem>>, vector<1x128xf32>
      %add3A_106 = vector.broadcast %get3A_105 : vector<1x128xf32> to vector<10240x128xf32>
      %add3A_107 = arith.addf %dot_general3A_102, %add3A_106 : vector<10240x128xf32>
      %swap3A = arith.constant 0 : index
      %swap3A_108 = arith.constant 0 : index
      %swap3A_109 = vector.load %arg9[%swap3A, %swap3A_108] : memref<10240x128xf32, #tpu.memory_space<vmem>>, vector<10240x128xf32>
      tpu.vector_store %arg9[%swap3A, %swap3A_108], %add3A_107 {strides = array<i32>} : memref<10240x128xf32, #tpu.memory_space<vmem>>, vector<10240x128xf32>,
    } else {
    }
    return
  }
  func.func @transform_0(%arg0: i32) -> (i32, i32, i32) {
    %c0_i32 = arith.constant 0 : i32
    %c0_i32_0 = arith.constant 0 : i32
    %c0_i32_1 = arith.constant 0 : i32
    %c0_i32_2 = arith.constant 0 : i32
    return %c0_i32, %c0_i32_0, %c0_i32_1 : i32, i32, i32
  }
  func.func @transform_1(%arg0: i32) -> (i32, i32) {
    %c0_i32 = arith.constant 0 : i32
    %c0_i32_0 = arith.constant 0 : i32
    return %arg0, %c0_i32 : i32, i32
  }
  func.func @transform_2(%arg0: i32) -> (i32, i32) {
    %c0_i32 = arith.constant 0 : i32
    %c0_i32_0 = arith.constant 0 : i32
    %c0_i32_1 = arith.constant 0 : i32
    return %c0_i32, %c0_i32_0 : i32, i32
  }
  func.func @transform_3(%arg0: i32) -> (i32, i32) {
    %c0_i32 = arith.constant 0 : i32
    %c0_i32_0 = arith.constant 0 : i32
    %c0_i32_1 = arith.constant 0 : i32
    return %c0_i32, %c0_i32_0 : i32, i32
  }
  func.func @transform_4(%arg0: i32) -> (i32, i32) {
    %c0_i32 = arith.constant 0 : i32
    %c0_i32_0 = arith.constant 0 : i32
    %c0_i32_1 = arith.constant 0 : i32
    return %c0_i32, %c0_i32_0 : i32, i32
  }
  func.func @transform_5(%arg0: i32) -> (i32, i32) {
    %c0_i32 = arith.constant 0 : i32
    %c0_i32_0 = arith.constant 0 : i32
    %c0_i32_1 = arith.constant 0 : i32
    return %c0_i32, %c0_i32_0 : i32, i32
  }
  func.func @transform_6(%arg0: i32) -> (i32, i32) {
    %c0_i32 = arith.constant 0 : i32
    %c0_i32_0 = arith.constant 0 : i32
    %c0_i32_1 = arith.constant 0 : i32
    return %c0_i32, %c0_i32_0 : i32, i32
  }
  func.func @transform_7(%arg0: i32) -> (i32, i32) {
    %c0_i32 = arith.constant 0 : i32
    %c0_i32_0 = arith.constant 0 : i32
    %c0_i32_1 = arith.constant 0 : i32
    return %c0_i32, %c0_i32_0 : i32, i32
  }
  func.func @transform_8(%arg0: i32) -> (i32, i32) {
    %c0_i32 = arith.constant 0 : i32
    %c0_i32_0 = arith.constant 0 : i32
    %c0_i32_1 = arith.constant 0 : i32
    return %c0_i32, %c0_i32_0 : i32, i32
  }
}

</mosaic_0001>

<sc_bundles>
// kernel: kernel.4.cloned.1.call-start
scs
__scs_entry_jumppad:
0x0: {  	(pc) =	sbr.rel $0x88, $3  }
0x1: {  	(tag) =	ssettag $0x0;
	lr =	simm.s32 $0x1  }
0x2: {  	[smem:$0x3F99] =	sst lr;
	_ =	strace $0xD0000000  }
0x3: {  	_ = 	snop  }
0x4: {  	_ = 	snop  }
0x5: {  	_ = 	snop  }
0x6: {  	_ = 	snop  }
0x7: {  	_ = 	snop  }
__scs_overlays_trampoline_lowered:
0x8: {  	[smem:$0x3FA8] =	sst s0  }
0x9: {  	[smem:$0x3FA9] =	sst s1  }
0xa: {  	[smem:$0x3FAA] =	sst s2  }
0xb: {  	[smem:$0x3FAB] =	sst s3  }
0xc: {  	[smem:$0x3FAC] =	sst s4  }
0xd: {  	[smem:$0x3FAD] =	sst s5  }
0xe: {  	[smem:$0x3FAE] =	sst s6  }
0xf: {  	[smem:$0x3FAF] =	sst s7  }
0x10: {  	[smem:$0x3FB0] =	sst s8  }
0x11: {  	[smem:$0x3FB1] =	sst s9;
	s0 =	simm.s32 @!p0 $0x0  }
0x12: {  	s1 =	sld [smem:$0x3F97];
	s0 =	simm.s32 @p0 $0x1  }
0x13: {  	[smem:$0x3FB2] =	sst s0;
	s0 =	simm.s32 @!p1 $0x0  }
0x14: {  	s2 =	sld [smem:$0x3F96];
	s0 =	simm.s32 @p1 $0x1  }
0x15: {  	[smem:$0x3FB3] =	sst s0;
	s0 =	simm.s32 @!p2 $0x0  }
0x16: {  	s3 =	sld [smem:$0x3FDB];
	s0 =	simm.s32 @p2 $0x1  }
0x17: {  	s4 =	simm.s32 $0x1BF5;
	[smem:$0x3FB5] =	sst s0  }
0x18: {  	s0 =	sld [smem:$0x3F98];
	_ =	swait.ge [sflag:s4], $0x0  }
0x19: {  	s7 =	sld [smem:$0x3F99]  }
0x1a: {  	s8 =	sadd.s32 $0xFFFFE003, lr  }
0x1b: {  	s9 =	sadd.s32 $0xFFFFFEF7, lr;
	s5 =	simm.s32 $0xFFFFFFFF;
	p2 =	slt.u32 s8, $0xFFFFF086  }
0x1c: {  	p1 =	slt.u32 s9, $0xF7A;
	s5 =	simm.s32 @!p2 $0x0  }
0x1d: {  	s5 =	simm.s32 @p1 $0x1;
	p0 =	seq.s32 s7, s2  }
0x1e: {  	s7 =	smul.u32 @!p0 $0xF7A, s2;
	p2 =	seq.s32 @!p0 s5, $0x0  }
0x1f: {  	s9 =	smul.u32 $0xF7A, s1;
	s8 =	simm.s32 @!p0 $0x1BF5;
	p2 =	por !p2, p0  }
0x20: {  	[sflag:s8] =	ssyncset.s32 @!p0 $0xFFFFF086;
	s6 =	sadd.s32 @!p0 s3, s7;
	s7 =	simm.s32 @!p0 $0x108  }
0x21: {  	s3 =	sadd.s32 s3, s9;
	s6 =	sadd.s32 @!p0 $0x88, s6;
	s7 =	simm.s32 @p2 $0x1082  }
0x22: {  	[simem:s7], [sflag:s8] =	dma.local @!p0 [hbm:s6], $0xF7A  }
0x23: {  	s9 =	sor.u32 $0xD0000000, s2;
	s6 =	simm.s32 $0x108;
	_ =	swait.ge @!p0 [sflag:s8], $0x0  }
0x24: {  	s3 =	sadd.s32 $0x88, s3;
	s6 =	simm.s32 @!p1 $0x1082;
	[sflag:s4] =	ssyncset.s32 $0xFFFFF086  }
0x25: {  	[simem:s6], [sflag:s4] =	dma.local [hbm:s3], $0xF7A  }
0x26: {  	[smem:$0x3F99] =	sst s1;
	(tag) =	ssettag s2;
	_ =	strace s9  }
0x27: {  	s1 =	sld [smem:$0x3FA9]  }
0x28: {  	s2 =	sld [smem:$0x3FAA]  }
0x29: {  	s4 =	sld [smem:$0x3FAC]  }
0x2a: {  	p0 =	seq.s32 s5, $0x0;
	s5 =	sld [smem:$0x3FAD]  }
0x2b: {  	s6 =	sld [smem:$0x3FAE]  }
0x2c: {  	s7 =	sld [smem:$0x3FAF]  }
0x2d: {  	s3 =	simm.s32 $0x108;
	s8 =	sld [smem:$0x3FB0]  }
0x2e: {  	s3 =	simm.s32 @!p0 $0x1082;
	s9 =	sld [smem:$0x3FB1]  }
0x2f: {  	lr =	sadd.s32 s0, s3;
	s0 =	sld [smem:$0x3FA8]  }
0x30: {  	s3 =	sld [smem:$0x3FAB]  }
0x31: {  	[smem:$0x3FB4] =	sst s10  }
0x32: {  	s10 =	sld [smem:$0x3FB2];
	_ =	sdelay $0x3  }
0x33: {  	p0 =	seq.s32 s10, $0x1;
	s10 =	sld [smem:$0x3FB4];
	_ =	sdelay $0x3  }
0x34: {  	[smem:$0x3FB4] =	sst s10  }
0x35: {  	s10 =	sld [smem:$0x3FB3];
	_ =	sdelay $0x3  }
0x36: {  	p1 =	seq.s32 s10, $0x1;
	s10 =	sld [smem:$0x3FB4];
	_ =	sdelay $0x3  }
0x37: {  	[smem:$0x3FB4] =	sst s10  }
0x38: {  	s10 =	sld [smem:$0x3FB5]  }
0x39: {  	_ = 	snop;
	(pc) =	sbr.ind lr, $3  }
0x3a: {  	_ = 	snop  }
0x3b: {  	_ = 	snop  }
0x3c: {  	p2 =	seq.s32 s10, $0x1;
	s10 =	sld [smem:$0x3FB4]  }
0x3d: {  	_ =	shalt  }
0x3e: {  	_ =	shalt  }
0x3f: {  	_ =	shalt  }
0x40: {  	_ =	shalt  }
0x41: {  	_ =	shalt  }
0x42: {  	_ =	shalt  }
0x43: {  	_ =	shalt  }
0x44: {  	_ =	shalt  }
0x45: {  	_ =	shalt  }
0x46: {  	_ =	shalt  }
0x47: {  	_ =	shalt  }
0x48: {  	_ =	shalt  }
0x49: {  	_ =	shalt  }
0x4a: {  	_ =	shalt  }
0x4b: {  	_ =	shalt  }
0x4c: {  	_ =	shalt  }
0x4d: {  	_ =	shalt  }
0x4e: {  	_ =	shalt  }
0x4f: {  	_ =	shalt  }
0x50: {  	_ =	shalt  }
0x51: {  	_ =	shalt  }
0x52: {  	_ =	shalt  }
0x53: {  	_ =	shalt  }
0x54: {  	_ =	shalt  }
0x55: {  	_ =	shalt  }
0x56: {  	_ =	shalt  }
0x57: {  	_ =	shalt  }
0x58: {  	_ =	shalt  }
0x59: {  	_ =	shalt  }
0x5a: {  	_ =	shalt  }
0x5b: {  	_ =	shalt  }
0x5c: {  	_ =	shalt  }
0x5d: {  	_ =	shalt  }
0x5e: {  	_ =	shalt  }
0x5f: {  	_ =	shalt  }
0x60: {  	_ =	shalt  }
0x61: {  	_ =	shalt  }
0x62: {  	_ =	shalt  }
0x63: {  	_ =	shalt  }
0x64: {  	_ =	shalt  }
0x65: {  	_ =	shalt  }
0x66: {  	_ =	shalt  }
0x67: {  	_ =	shalt  }
0x68: {  	_ =	shalt  }
0x69: {  	_ =	shalt  }
0x6a: {  	_ =	shalt  }
0x6b: {  	_ =	shalt  }
0x6c: {  	_ =	shalt  }
0x6d: {  	_ =	shalt  }
0x6e: {  	_ =	shalt  }
0x6f: {  	_ =	shalt  }
0x70: {  	_ =	shalt  }
0x71: {  	_ =	shalt  }
0x72: {  	_ =	shalt  }
0x73: {  	_ =	shalt  }
0x74: {  	_ =	shalt  }
0x75: {  	_ =	shalt  }
0x76: {  	_ =	shalt  }
0x77: {  	_ =	shalt  }
0x78: {  	_ =	shalt  }
0x79: {  	_ =	shalt  }
0x7a: {  	_ =	shalt  }
0x7b: {  	_ =	shalt  }
0x7c: {  	_ =	shalt  }
0x7d: {  	_ =	shalt  }
0x7e: {  	_ =	shalt  }
0x7f: {  	_ =	shalt  }
0x80: {  	_ =	shalt  }
0x81: {  	_ =	shalt  }
0x82: {  	_ =	shalt  }
0x83: {  	_ =	shalt  }
0x84: {  	_ =	shalt  }
0x85: {  	_ =	shalt  }
0x86: {  	_ =	shalt  }
0x87: {  	_ =	shalt  }
.Lfunc_end0:
.L_simem_size_0:
called_computation_lowered:
.L_overlay_start_0:
0x88: {  	s2 =	sld [smem:$0x3FD9]  }
0x89: {  	s3 =	sld [smem:$0x3FFE];
	_ =	sdelay $0x1  }
0x8a: {  	s1 =	srdreg.scid  }
0x8b: {  	s0 =	sand.u32 $0x1, s1  }
0x8c: {  	s17 =	sshll.u32 s0, $0xA;
	s2 =	sadd.s32 s3, s2  }
0x8d: {  	s2 =	sadd.s32 s2, s17  }
0x8e: {  	[smem:$0x3FC0] =	sst s2  }
0x8f: {  	_ = 	snop  }
0x90: {  	s2 =	sld [smem:$0x3FC8]  }
0x91: {  	s18 =	sld [smem:$0x3FD0];
	(tm) =	ssettm $0x1  }
0x92: {  	s4 =	sld [smem:$0x3FFB];
	_ =	sdelay $0x3  }
0x93: {  	_ =	strace s4  }
0x94: {  	s4 =	sld [smem:$0x3FFC];
	_ =	sdelay $0x3  }
0x95: {  	_ =	strace s4  }
0x96: {  	s4 =	sld [smem:$0x3FFD];
	_ =	sdelay $0x3  }
0x97: {  	_ =	strace s4  }
0x98: {  	_ =	strace $0x8FFFFFFF  }
0x99: {  	s19 =	sld [smem:$0x3FDB];
	_ =	sdelay $0x1  }
0x9a: {  	s5 =	simm.s32 $_scs_section_size  }
0x9b: {  	s6 =	simm.s32 $_size__tile_overlayer_lowered;
	s7 =	simm.s32 $_tile_overlayer_lowered  }
0x9c: {  	s22 =	simm.s32 $0x1BFF;
	s21 =	sshll.u32 s7, $0x1;
	s4 =	sadd.s32 s5, s19  }
0x9d: {  	s8 =	simm.s32 $0x0;
	s20 =	sshll.u32 s6, $0x1;
	s6 =	sadd.s32 s21, s4  }
0x9e: {  	[timem:s8], [sflag:s22] =	dma.local [hbm:s6], s20  }
0x9f: {  	_ =	swait.ge [sflag:s22], s20  }
0xa0: {  	s5 =	ssub.s32 $0x0, s20;
	[sflag:s22] =	ssyncset.done $0x0  }
0xa1: {  	[sflag:s22] =	ssyncadd.s32 s5;
	_ =	sdelay $0x1  }
0xa2: {  	s23 =	simm.s32 $0x1B8B  }
0xa3: {  	_ =	swait.ge [sflag:s23], $0x1  }
0xa4: {  	[sflag:s23] =	ssyncset.done $0x0  }
0xa5: {  	s25 =	simm.s32 $0x1B8E;
	s24 =	sld [smem:$0x3FFE];
	[sflag:s23] =	ssyncadd.s32 $0xFFFFFFFF  }
0xa6: {  	s26 =	simm.s32 $execute0_lowered;
	[smem:$0x3FD2] =	sst s25  }
0xa7: {  	s6 =	sshll.u32 s26, $0x1;
	_ =	strace $0x80000046;
	[dreg:$0x1] =	wrdreg $0xFFFFFFFF  }
0xa8: {  	s28 =	simm.s32 $_size_execute0_lowered;
	s4 =	sadd.s32 s4, s6;
	[dreg:$0x0] =	wrdreg $0x0  }
0xa9: {  	s6 =	sshll.u32 s28, $0x1;
	[dreg:$0x2] =	wrdreg s4  }
0xaa: {  	[dreg:$0x3] =	wrdreg s6  }
0xab: {  	[dreg:$0x4] =	wrdreg $0xC0  }
0xac: {  	_ =	task [dreg:s8], $0x5FFFF  }
0xad: {  	[dreg:$0x1] =	wrdreg $0xFFFFFFFF  }
0xae: {  	[dreg:$0x0] =	wrdreg $0x60  }
0xaf: {  	[dreg:$0x2] =	wrdreg s24  }
0xb0: {  	[dreg:$0x3] =	wrdreg s2  }
0xb1: {  	[dreg:$0x4] =	wrdreg s18  }
0xb2: {  	[dreg:$0x5] =	wrdreg $0x9  }
0xb3: {  	_ =	task.clear_ibuf [dreg:s8], $0x6FFFF;
	_ =	strace $0x90000046  }
0xb4: {  	s29 =	simm.s32 $0x9;
	_ =	strace $0x80000048  }
0xb5: {  	_ =	swait.ge [sflag:s29], $0x1  }
0xb6: {  	[sflag:s29] =	ssyncadd.s32 $0xFFFFFFFF  }
0xb7: {  	_ =	strace $0x90000048  }
0xb8: {  	_ =	sfence  }
0xb9: {  	s30 =	sld [smem:$0x0];
	_ =	sdelay $0x2  }
0xba: {  	s31 =	sshll.u32 s1, $0xD;
	s1 =	sshrl.u32 s1, $0x2  }
0xbb: {  	s3 =	sand.u32 $0x4000, s31;
	s1 =	sadd.s32 s1, s30  }
0xbc: {  	s0 =	sor.u32 s3, s0;
	s1 =	sshll.u32 s1, $0x11  }
0xbd: {  	s0 =	sor.u32 s1, s0  }
0xbe: {  	s0 =	sadd.s32 $0x8F2B, s0  }
0xbf: {  	[sflag:s0] =	ssyncadd.remote.s32 $0x1  }
0xc0: {  	_ =	sfence.sel $0xFFFF  }
0xc1: {  	[dreg:$0x0] =	wrdreg $0xFFFFFFFF;
	(pc) =	sbr.abs _section_cstart, $3  }
0xc2: {  	[dreg:$0x1] =	wrdreg $0xFFFFFFFF  }
0xc3: {  	_ =	task.clear_ibuf [dreg:s8], $0x2FFFF;
	_ =	strace $0x9FFFFFFF  }
0xc4: {  	(tm) =	ssettm $0x7FFFFFFF  }
0xc5: {  	_ =	shalt  }
tec
execute0_lowered:
.L_overlay_start_1:
0x0: {  	(tag) =	ssettag $0x1  }
0x1: {  	s5 =	rddreg [dreg:$0x0]  }
0x2: {  	s1 =	srdreg.scid;
	s6 =	rddreg [dreg:$0x1]  }
0x3: {  	s0 =	stileid.u32;
	s2 =	rddreg [dreg:$0x2];
	s3 =	simm.s32 $0x0  }
0x4: {  	s31 =	simm.s32 $0xB8;
	s11 =	simm.s32 $0x2780;
	s10 =	simm.s32 $0x1  }
0x5: {  	s12 =	simm.s32 $0x8380;
	s13 =	simm.s32 $0xDF80;
	s14 =	simm.s32 $0x13B80  }
0x6: {  	s15 =	simm.s32 $0x6;
	s16 =	simm.s32 $0x7;
	s17 =	simm.s32 $0x8  }
0x7: {  	s18 =	simm.s32 $0x9;
	s19 =	simm.s32 $0xA;
	s20 =	simm.s32 $0x0  }
0x8: {  	s7 =	sand.u32 $0x1, s1;
	s30 =	sshll.u32 s0, $0x1;
	[smem:$0x7FF] =	sst s3  }
0x9: {  	s5 =	sadd.s32 $0xC00, s5;
	_ =	strace $0x80000047;
	[dreg:$0x4] =	wrdreg s31  }
0xa: {  	s4 =	sor.u32 s7, s30;
	s7 =	ssub.s32 $0x2, s7;
	[dreg:$0x5] =	wrdreg s11  }
0xb: {  	s11 =	simm.s32 $0x2;
	[dreg:$0x6] =	wrdreg s12;
	s12 =	simm.s32 $0x3  }
0xc: {  	[dreg:$0x7] =	wrdreg s13;
	s13 =	simm.s32 $0x4;
	s4 =	smul.u32 $0x2710, s4  }
0xd: {  	[dreg:$0x8] =	wrdreg s14;
	s14 =	simm.s32 $0x5;
	s8 =	sshrl.u32 s7, $0x1  }
0xe: {  	s7 =	ssub.s32 s7, s8;
	s8 =	simm.s32 $0xB;
	s9 =	sshrl.u32 s4, $0x3  }
0xf: {  	s7 =	smax.u32 s7, $0x1;
	s6 =	sadd.s32 s6, s9;
	s9 =	simm.s32 $0x19780  }
.LBB2_1:
0x10: {  	[tilespmem:s3], [sflag:$0xB] =	stream.linear.gather [hbm4b:s6+s3], $0x2710, $0x38;
	[tilespmem:$0x1F380] =	vst v63  }
0x11: {  	_ =	swait.ge [sflag:s8], $0x2710  }
0x12: {  	p0 =	por $0x0, $0x0;
	[sflag:s8] =	ssyncset.done $0x0  }
0x13: {  	s21 =	simm.s32 @p0 $0x6;
	[sflag:s8] =	ssyncadd.s32 $0xFFFFD8F0  }
0x14: {  	_ =	swait.ge @p0 [sflag:s21], $0x5C00  }
0x15: {  	s22 =	simm.s32 @p0 $0x0;
	s23 =	simm.s32 @p0 $0xB8;
	[sflag:s21] =	ssyncset.done @p0 $0x0  }
0x16: {  	s24 =	simm.s32 @p0 $0x7;
	[sflag:s21] =	ssyncadd.s32 @p0 $0xFFFFA400;
	s21 =	simm.s32 @p0 $0x2780  }
0x17: {  	[tilespmem:s21], [sflag:$0x1] =	stream.indirect.gather @p0 [hbm4b:s5+s23], $0x80, s22, s23, $0xb8;
	[tilespmem:$0x1F380] =	vst v63  }
0x18: {  	_ =	swait.ge @p0 [sflag:s24], $0x5C00  }
0x19: {  	s21 =	simm.s32 @p0 $0xB8;
	[sflag:s24] =	ssyncset.done @p0 $0x0  }
0x1a: {  	s22 =	simm.s32 @p0 $0x8380;
	[sflag:s24] =	ssyncadd.s32 @p0 $0xFFFFA400;
	s24 =	simm.s32 @p0 $0x8  }
0x1b: {  	[tilespmem:s22], [sflag:$0x2] =	stream.indirect.gather @p0 [hbm4b:s5+s23], $0x80, s21, s23, $0xb8;
	[tilespmem:$0x1F380] =	vst v63  }
0x1c: {  	_ =	swait.ge @p0 [sflag:s24], $0x5C00  }
0x1d: {  	s21 =	simm.s32 @p0 $0x170;
	[sflag:s24] =	ssyncset.done @p0 $0x0  }
0x1e: {  	s22 =	simm.s32 @p0 $0xDF80;
	[sflag:s24] =	ssyncadd.s32 @p0 $0xFFFFA400;
	s24 =	simm.s32 @p0 $0x9  }
0x1f: {  	[tilespmem:s22], [sflag:$0x3] =	stream.indirect.gather @p0 [hbm4b:s5+s23], $0x80, s21, s23, $0xb8;
	[tilespmem:$0x1F380] =	vst v63  }
0x20: {  	_ =	swait.ge @p0 [sflag:s24], $0x5C00  }
0x21: {  	s25 =	simm.s32 @p0 $0xA;
	[sflag:s24] =	ssyncset.done @p0 $0x0  }
0x22: {  	s21 =	simm.s32 $0x228;
	s22 =	simm.s32 @p0 $0x13B80;
	[sflag:s24] =	ssyncadd.s32 @p0 $0xFFFFA400  }
0x23: {  	[tilespmem:s22], [sflag:$0x4] =	stream.indirect.gather @p0 [hbm4b:s5+s23], $0x80, s21, s23, $0xb8;
	[tilespmem:$0x1F380] =	vst v63  }
0x24: {  	_ =	swait.ge @p0 [sflag:s25], $0x5C00  }
0x25: {  	s21 =	simm.s32 @!p0 $0xB8;
	[sflag:s25] =	ssyncset.done @p0 $0x0  }
0x26: {  	s22 =	simm.s32 @!p0 $0x0;
	s23 =	simm.s32 @!p0 $0x2780;
	[sflag:s25] =	ssyncadd.s32 @p0 $0xFFFFA400  }
0x27: {  	[tilespmem:s23], [sflag:$0x1] =	stream.indirect.gather @!p0 [hbm4b:s5+s21], $0x80, s22, s21, $0xb8;
	[tilespmem:$0x1F380] =	vst v63  }
0x28: {  	s24 =	simm.s32 @!p0 $0x8380;
	s23 =	simm.s32 @p0 $0x0  }
0x29: {  	s31 =	rddreg [dreg:$0x4];
	s25 =	simm.s32 @!p0 $0x170;
	s23 =	simm.s32 @!p0 $0x0  }
0x2a: {  	[tilespmem:s24], [sflag:$0x2] =	stream.indirect.gather @!p0 [hbm4b:s5+s21], $0x80, s21, s21, $0xb8;
	[tilespmem:$0x1F380] =	vst v63  }
0x2b: {  	s22 =	simm.s32 @!p0 $0x13B80;
	s24 =	simm.s32 @!p0 $0xDF80;
	s26 =	smin.u32 s23, $0x2378  }
0x2c: {  	[tilespmem:s24], [sflag:$0x3] =	stream.indirect.gather @!p0 [hbm4b:s5+s21], $0x80, s25, s21, $0xb8;
	[tilespmem:$0x1F380] =	vst v63  }
0x2d: {  	s0 =	sadd.s32 s4, s23;
	s25 =	simm.s32 @!p0 $0x228;
	s24 =	simm.s32 @p0 $0xB8  }
0x2e: {  	[tilespmem:s22], [sflag:$0x4] =	stream.indirect.gather @!p0 [hbm4b:s5+s21], $0x80, s25, s21, $0xb8;
	[tilespmem:$0x1F380] =	vst v63  }
0x2f: {  	s23 =	simm.s32 $0x958;
	s24 =	simm.s32 @!p0 $0xB8;
	s22 =	sadd.s32 $0x2E0, s26  }
0x30: {  	[tilespmem:s9], [sflag:$0x5] =	stream.indirect.gather [hbm4b:s5+s31], $0x80, s22, s31, $0xb8;
	[tilespmem:$0x1F380] =	vst v63  }
0x31: {  	s21 =	sshll.u32 s0, $0x4;
	s24 =	sadd.s32 s4, s24;
	_ =	swait.ge [sflag:s10], $0x5C00  }
0x32: {  	s0 =	simm.s32 $0x5C0;
	s21 =	sadd.s32 s2, s21;
	[sflag:s10] =	ssyncset.done $0x0  }
0x33: {  	s22 =	sadd.s32 s4, s22;
	s1 =	rddreg [dreg:$0x5];
	[sflag:s10] =	ssyncadd.s32 $0xFFFFA400  }
0x34: {  	[hbm4b:s21+s3] =	stream.linear.scatter [tilespmem:s1], [sflag:$0x6], $0x5C00, $0x38;
	[tilespmem:$0x1F380] =	vst v63  }
0x35: {  	s29 =	sshll.u32 s22, $0x4;
	s21 =	sshll.u32 s24, $0x4;
	_ =	swait.ge [sflag:s11], $0x5C00  }
0x36: {  	s24 =	simm.s32 @p0 $0x170;
	s21 =	sadd.s32 s2, s21;
	[sflag:s11] =	ssyncset.done $0x0  }
0x37: {  	s24 =	simm.s32 @!p0 $0x170;
	s25 =	rddreg [dreg:$0x6];
	[sflag:s11] =	ssyncadd.s32 $0xFFFFA400  }
0x38: {  	[hbm4b:s21+s3] =	stream.linear.scatter [tilespmem:s25], [sflag:$0x7], $0x5C00, $0x38;
	[tilespmem:$0x1F380] =	vst v63  }
0x39: {  	s26 =	sadd.s32 s4, s24;
	s24 =	simm.s32 $0x228;
	_ =	swait.ge [sflag:s12], $0x5C00  }
0x3a: {  	s24 =	simm.s32 @!p0 $0x228;
	s21 =	sshll.u32 s26, $0x4;
	[sflag:s12] =	ssyncset.done $0x0  }
0x3b: {  	s21 =	sadd.s32 s2, s21;
	s28 =	rddreg [dreg:$0x7];
	[sflag:s12] =	ssyncadd.s32 $0xFFFFA400  }
0x3c: {  	[hbm4b:s21+s3] =	stream.linear.scatter [tilespmem:s28], [sflag:$0x8], $0x5C00, $0x38;
	[tilespmem:$0x1F380] =	vst v63  }
0x3d: {  	s22 =	simm.s32 $0x5C0;
	s30 =	sadd.s32 s4, s24;
	_ =	swait.ge [sflag:s13], $0x5C00  }
0x3e: {  	p0 =	por $0x1, $0x1;
	s21 =	sshll.u32 s30, $0x4;
	[sflag:s13] =	ssyncset.done $0x0  }
0x3f: {  	s21 =	sadd.s32 s2, s21;
	s31 =	rddreg [dreg:$0x8];
	[sflag:s13] =	ssyncadd.s32 $0xFFFFA400  }
0x40: {  	[hbm4b:s21+s3] =	stream.linear.scatter [tilespmem:s31], [sflag:$0x9], $0x5C00, $0x38;
	[tilespmem:$0x1F380] =	vst v63  }
.LBB2_2:
0x41: {  	_ =	swait.ge [sflag:s14], $0x5C00  }
0x42: {  	[sflag:s14] =	ssyncset.done $0x0  }
0x43: {  	s26 =	simm.s32 @p0 $0x6;
	s28 =	sadd.s32 s2, s29;
	[sflag:s14] =	ssyncadd.s32 $0xFFFFA400  }
0x44: {  	[hbm4b:s28+s3] =	stream.linear.scatter [tilespmem:s9], [sflag:$0xA], $0x5C00, $0x38;
	[tilespmem:$0x1F380] =	vst v63  }
0x45: {  	_ =	swait.ge @p0 [sflag:s26], $0x5C00  }
0x46: {  	s30 =	simm.s32 @p0 $0xB8;
	s31 =	simm.s32 @p0 $0x7;
	[sflag:s26] =	ssyncset.done @p0 $0x0  }
0x47: {  	s28 =	sadd.s32 @p0 $0xFFFFFDD8, s22;
	[sflag:s26] =	ssyncadd.s32 @p0 $0xFFFFA400;
	s26 =	simm.s32 @p0 $0x2780  }
0x48: {  	[tilespmem:s26], [sflag:$0x1] =	stream.indirect.gather @p0 [hbm4b:s5+s30], $0x80, s28, s30, $0xb8;
	[tilespmem:$0x1F380] =	vst v63  }
0x49: {  	s29 =	sadd.s32 @p0 $0xFFFFFF48, s0;
	s1 =	simm.s32 @p0 $0x8380;
	_ =	swait.ge @p0 [sflag:s31], $0x5C00  }
0x4a: {  	s29 =	simm.s32 @!p0 $0x170;
	s28 =	sadd.s32 @p0 $0xFFFFFE90, s22;
	[sflag:s31] =	ssyncset.done @p0 $0x0  }
0x4b: {  	s26 =	sadd.s32 s4, s29;
	s29 =	simm.s32 @p0 $0x8;
	[sflag:s31] =	ssyncadd.s32 @p0 $0xFFFFA400  }
0x4c: {  	[tilespmem:s1], [sflag:$0x2] =	stream.indirect.gather @p0 [hbm4b:s5+s30], $0x80, s28, s30, $0xb8;
	[tilespmem:$0x1F380] =	vst v63  }
0x4d: {  	s21 =	smov.u32 s0;
	_ =	swait.ge @p0 [sflag:s29], $0x5C00  }
0x4e: {  	s21 =	simm.s32 @!p0 $0x228;
	s31 =	simm.s32 @p0 $0xDF80;
	[sflag:s29] =	ssyncset.done @p0 $0x0  }
0x4f: {  	s1 =	sadd.s32 @p0 $0xFFFFFF48, s22;
	[sflag:s29] =	ssyncadd.s32 @p0 $0xFFFFA400;
	s29 =	simm.s32 @p0 $0x9  }
0x50: {  	[tilespmem:s31], [sflag:$0x3] =	stream.indirect.gather @p0 [hbm4b:s5+s30], $0x80, s1, s30, $0xb8;
	[tilespmem:$0x1F380] =	vst v63  }
0x51: {  	s21 =	sadd.s32 s4, s21;
	_ =	swait.ge @p0 [sflag:s29], $0x5C00  }
0x52: {  	s28 =	sshll.u32 s21, $0x4;
	[sflag:s29] =	ssyncset.done @p0 $0x0  }
0x53: {  	s21 =	simm.s32 @p0 $0xA;
	s1 =	simm.s32 @p0 $0x13B80;
	[sflag:s29] =	ssyncadd.s32 @p0 $0xFFFFA400  }
0x54: {  	[tilespmem:s1], [sflag:$0x4] =	stream.indirect.gather @p0 [hbm4b:s5+s30], $0x80, s22, s30, $0xb8;
	[tilespmem:$0x1F380] =	vst v63  }
0x55: {  	_ =	swait.ge @p0 [sflag:s21], $0x5C00  }
0x56: {  	s29 =	simm.s32 @!p0 $0x0;
	[sflag:s21] =	ssyncset.done @p0 $0x0  }
0x57: {  	s1 =	simm.s32 @!p0 $0xB8;
	[sflag:s21] =	ssyncadd.s32 @p0 $0xFFFFA400;
	s21 =	simm.s32 @!p0 $0x2780  }
0x58: {  	[tilespmem:s21], [sflag:$0x1] =	stream.indirect.gather @!p0 [hbm4b:s5+s1], $0x80, s29, s1, $0xb8;
	[tilespmem:$0x1F380] =	vst v63  }
0x59: {  	s24 =	sadd.s32 @p0 $0xFFFFFE90, s0;
	s0 =	sadd.s32 @p0 $0xFFFFFDD8, s0;
	s21 =	simm.s32 @!p0 $0x8380  }
0x5a: {  	[tilespmem:s21], [sflag:$0x2] =	stream.indirect.gather @!p0 [hbm4b:s5+s1], $0x80, s1, s1, $0xb8;
	[tilespmem:$0x1F380] =	vst v63  }
0x5b: {  	s0 =	simm.s32 @!p0 $0x0;
	s29 =	simm.s32 @!p0 $0xDF80;
	s21 =	simm.s32 @!p0 $0x170  }
0x5c: {  	[tilespmem:s29], [sflag:$0x3] =	stream.indirect.gather @!p0 [hbm4b:s5+s1], $0x80, s21, s1, $0xb8;
	[tilespmem:$0x1F380] =	vst v63  }
0x5d: {  	s30 =	simm.s32 @!p0 $0x13B80;
	s21 =	simm.s32 @!p0 $0x228;
	s29 =	smin.u32 s0, $0x2378  }
0x5e: {  	[tilespmem:s30], [sflag:$0x4] =	stream.indirect.gather @!p0 [hbm4b:s5+s1], $0x80, s21, s1, $0xb8;
	[tilespmem:$0x1F380] =	vst v63  }
0x5f: {  	s31 =	rddreg [dreg:$0x4];
	s30 =	sadd.s32 $0x2E0, s29  }
0x60: {  	[tilespmem:s9], [sflag:$0x5] =	stream.indirect.gather [hbm4b:s5+s31], $0x80, s30, s31, $0xb8;
	[tilespmem:$0x1F380] =	vst v63  }
0x61: {  	s24 =	simm.s32 @!p0 $0xB8;
	s0 =	sadd.s32 s4, s0;
	_ =	swait.ge [sflag:s10], $0x5C00  }
0x62: {  	s21 =	sshll.u32 s0, $0x4;
	s1 =	sadd.s32 s4, s30;
	[sflag:s10] =	ssyncset.done $0x0  }
0x63: {  	s31 =	sadd.s32 s2, s21;
	s30 =	rddreg [dreg:$0x5];
	[sflag:s10] =	ssyncadd.s32 $0xFFFFA400  }
0x64: {  	[hbm4b:s31+s3] =	stream.linear.scatter [tilespmem:s30], [sflag:$0x6], $0x5C00, $0x38;
	[tilespmem:$0x1F380] =	vst v63  }
0x65: {  	s24 =	sadd.s32 s4, s24;
	_ =	swait.ge [sflag:s11], $0x5C00  }
0x66: {  	s25 =	smov.u32 s23;
	s24 =	sshll.u32 s24, $0x4;
	[sflag:s11] =	ssyncset.done $0x0  }
0x67: {  	s24 =	sadd.s32 s2, s24;
	s21 =	rddreg [dreg:$0x6];
	[sflag:s11] =	ssyncadd.s32 $0xFFFFA400  }
0x68: {  	[hbm4b:s24+s3] =	stream.linear.scatter [tilespmem:s21], [sflag:$0x7], $0x5C00, $0x38;
	[tilespmem:$0x1F380] =	vst v63  }
0x69: {  	s23 =	sadd.s32 $0x398, s23;
	s26 =	sshll.u32 s26, $0x4;
	_ =	swait.ge [sflag:s12], $0x5C00  }
0x6a: {  	p1 =	sne.s32 s23, $0x29B0;
	s26 =	sadd.s32 s2, s26;
	[sflag:s12] =	ssyncset.done $0x0  }
0x6b: {  	s0 =	smov.u32 s25;
	s25 =	rddreg [dreg:$0x7];
	[sflag:s12] =	ssyncadd.s32 $0xFFFFA400  }
0x6c: {  	[hbm4b:s26+s3] =	stream.linear.scatter [tilespmem:s25], [sflag:$0x8], $0x5C00, $0x38;
	[tilespmem:$0x1F380] =	vst v63  }
.Ltmp0:
0x6d: {  	_ = 	snop;
	(pc) =	sbr.rel @p1 .LBB2_2-.Ltmp0, $4  }
0x6e: {  	s22 =	sadd.s32 $0x398, s22;
	_ =	swait.ge [sflag:s13], $0x5C00  }
0x6f: {  	p0 =	sne.s32 s0, $0x228;
	s29 =	sshll.u32 s1, $0x4;
	[sflag:s13] =	ssyncset.done $0x0  }
0x70: {  	s31 =	sadd.s32 s2, s28;
	s30 =	rddreg [dreg:$0x8];
	[sflag:s13] =	ssyncadd.s32 $0xFFFFA400  }
0x71: {  	[hbm4b:s31+s3] =	stream.linear.scatter [tilespmem:s30], [sflag:$0x9], $0x5C00, $0x38;
	[tilespmem:$0x1F380] =	vst v63  }
0x72: {  	_ =	swait.ge [sflag:s14], $0x5C00  }
0x73: {  	[sflag:s14] =	ssyncset.done $0x0  }
0x74: {  	s1 =	simm.s32 @p0 $0x6;
	s21 =	sadd.s32 s2, s29;
	[sflag:s14] =	ssyncadd.s32 $0xFFFFA400  }
0x75: {  	[hbm4b:s21+s3] =	stream.linear.scatter [tilespmem:s9], [sflag:$0xA], $0x5C00, $0x38;
	[tilespmem:$0x1F380] =	vst v63  }
0x76: {  	_ =	swait.ge @p0 [sflag:s1], $0x5C00  }
0x77: {  	s23 =	simm.s32 @p0 $0xB8;
	s24 =	simm.s32 @p0 $0x7;
	[sflag:s1] =	ssyncset.done @p0 $0x0  }
0x78: {  	s21 =	sadd.s32 @p0 $0xFFFFFDD8, s22;
	[sflag:s1] =	ssyncadd.s32 @p0 $0xFFFFA400;
	s1 =	simm.s32 @p0 $0x2780  }
0x79: {  	[tilespmem:s1], [sflag:$0x1] =	stream.indirect.gather @p0 [hbm4b:s5+s23], $0x80, s21, s23, $0xb8;
	[tilespmem:$0x1F380] =	vst v63  }
0x7a: {  	_ =	swait.ge @p0 [sflag:s24], $0x5C00  }
0x7b: {  	s1 =	sadd.s32 @p0 $0xFFFFFE90, s22;
	[sflag:s24] =	ssyncset.done @p0 $0x0  }
0x7c: {  	s21 =	simm.s32 @p0 $0x8380;
	[sflag:s24] =	ssyncadd.s32 @p0 $0xFFFFA400;
	s24 =	simm.s32 @p0 $0x8  }
0x7d: {  	[tilespmem:s21], [sflag:$0x2] =	stream.indirect.gather @p0 [hbm4b:s5+s23], $0x80, s1, s23, $0xb8;
	[tilespmem:$0x1F380] =	vst v63  }
0x7e: {  	_ =	swait.ge @p0 [sflag:s24], $0x5C00  }
0x7f: {  	s1 =	sadd.s32 @p0 $0xFFFFFF48, s22;
	[sflag:s24] =	ssyncset.done @p0 $0x0  }
0x80: {  	s21 =	simm.s32 @p0 $0xDF80;
	[sflag:s24] =	ssyncadd.s32 @p0 $0xFFFFA400;
	s24 =	simm.s32 @p0 $0x9  }
0x81: {  	[tilespmem:s21], [sflag:$0x3] =	stream.indirect.gather @p0 [hbm4b:s5+s23], $0x80, s1, s23, $0xb8;
	[tilespmem:$0x1F380] =	vst v63  }
0x82: {  	_ =	swait.ge @p0 [sflag:s24], $0x5C00  }
0x83: {  	[sflag:s24] =	ssyncset.done @p0 $0x0  }
0x84: {  	s1 =	simm.s32 @p0 $0x13B80;
	s21 =	simm.s32 @p0 $0xA;
	[sflag:s24] =	ssyncadd.s32 @p0 $0xFFFFA400  }
0x85: {  	[tilespmem:s1], [sflag:$0x4] =	stream.indirect.gather @p0 [hbm4b:s5+s23], $0x80, s22, s23, $0xb8;
	[tilespmem:$0x1F380] =	vst v63  }
0x86: {  	_ =	swait.ge @p0 [sflag:s21], $0x5C00  }
0x87: {  	s1 =	simm.s32 @!p0 $0xB8;
	[sflag:s21] =	ssyncset.done @p0 $0x0  }
0x88: {  	s22 =	simm.s32 @!p0 $0x0;
	[sflag:s21] =	ssyncadd.s32 @p0 $0xFFFFA400;
	s21 =	simm.s32 @!p0 $0x2780  }
0x89: {  	[tilespmem:s21], [sflag:$0x1] =	stream.indirect.gather @!p0 [hbm4b:s5+s1], $0x80, s22, s1, $0xb8;
	[tilespmem:$0x1F380] =	vst v63  }
0x8a: {  	s23 =	simm.s32 @!p0 $0x8380;
	s22 =	sadd.s32 @p0 $0xFFFFFDD8, s0  }
0x8b: {  	[tilespmem:s23], [sflag:$0x2] =	stream.indirect.gather @!p0 [hbm4b:s5+s1], $0x80, s1, s1, $0xb8;
	[tilespmem:$0x1F380] =	vst v63  }
0x8c: {  	s24 =	simm.s32 @!p0 $0x170;
	s22 =	simm.s32 @!p0 $0x0;
	s23 =	simm.s32 @!p0 $0xDF80  }
0x8d: {  	[tilespmem:s23], [sflag:$0x3] =	stream.indirect.gather @!p0 [hbm4b:s5+s1], $0x80, s24, s1, $0xb8;
	[tilespmem:$0x1F380] =	vst v63  }
0x8e: {  	s21 =	simm.s32 @!p0 $0x13B80;
	s25 =	smin.u32 s22, $0x2378;
	s24 =	simm.s32 @!p0 $0x228  }
0x8f: {  	[tilespmem:s21], [sflag:$0x4] =	stream.indirect.gather @!p0 [hbm4b:s5+s1], $0x80, s24, s1, $0xb8;
	[tilespmem:$0x1F380] =	vst v63  }
0x90: {  	s30 =	rddreg [dreg:$0x4];
	s31 =	sadd.s32 $0x2E0, s25;
	s23 =	sadd.s32 s4, s22  }
0x91: {  	[tilespmem:s9], [sflag:$0x5] =	stream.indirect.gather [hbm4b:s5+s30], $0x80, s31, s30, $0xb8;
	[tilespmem:$0x1F380] =	vst v63  }
0x92: {  	s21 =	sshll.u32 s23, $0x4;
	_ =	swait.ge [sflag:s10], $0x5C00  }
0x93: {  	s23 =	sadd.s32 @p0 $0xFFFFFE90, s0;
	s21 =	sadd.s32 s2, s21;
	[sflag:s10] =	ssyncset.done $0x0  }
0x94: {  	s23 =	simm.s32 @!p0 $0xB8;
	s24 =	rddreg [dreg:$0x5];
	[sflag:s10] =	ssyncadd.s32 $0xFFFFA400  }
0x95: {  	[hbm4b:s21+s3] =	stream.linear.scatter [tilespmem:s24], [sflag:$0x6], $0x5C00, $0x38;
	[tilespmem:$0x1F380] =	vst v63  }
0x96: {  	s25 =	sadd.s32 s4, s23;
	s23 =	sadd.s32 @p0 $0xFFFFFF48, s0;
	_ =	swait.ge [sflag:s11], $0x5C00  }
0x97: {  	s23 =	simm.s32 @!p0 $0x170;
	s21 =	sshll.u32 s25, $0x4;
	[sflag:s11] =	ssyncset.done $0x0  }
0x98: {  	s21 =	sadd.s32 s2, s21;
	s26 =	rddreg [dreg:$0x6];
	[sflag:s11] =	ssyncadd.s32 $0xFFFFA400  }
0x99: {  	[hbm4b:s21+s3] =	stream.linear.scatter [tilespmem:s26], [sflag:$0x7], $0x5C00, $0x38;
	[tilespmem:$0x1F380] =	vst v63  }
0x9a: {  	s28 =	sadd.s32 s4, s23;
	_ =	swait.ge [sflag:s12], $0x5C00  }
0x9b: {  	s0 =	simm.s32 @!p0 $0x228;
	s21 =	sshll.u32 s28, $0x4;
	[sflag:s12] =	ssyncset.done $0x0  }
0x9c: {  	s21 =	sadd.s32 s2, s21;
	s29 =	rddreg [dreg:$0x7];
	[sflag:s12] =	ssyncadd.s32 $0xFFFFA400  }
0x9d: {  	[hbm4b:s21+s3] =	stream.linear.scatter [tilespmem:s29], [sflag:$0x8], $0x5C00, $0x38;
	[tilespmem:$0x1F380] =	vst v63  }
0x9e: {  	s0 =	sadd.s32 s4, s0;
	_ =	swait.ge [sflag:s13], $0x5C00  }
0x9f: {  	s0 =	sshll.u32 s0, $0x4;
	[sflag:s13] =	ssyncset.done $0x0  }
0xa0: {  	s0 =	sadd.s32 s2, s0;
	s30 =	rddreg [dreg:$0x8];
	[sflag:s13] =	ssyncadd.s32 $0xFFFFA400  }
0xa1: {  	[hbm4b:s0+s3] =	stream.linear.scatter [tilespmem:s30], [sflag:$0x9], $0x5C00, $0x38;
	[tilespmem:$0x1F380] =	vst v63  }
0xa2: {  	s31 =	sadd.s32 s4, s31;
	_ =	swait.ge [sflag:s14], $0x5C00  }
0xa3: {  	s0 =	sshll.u32 s31, $0x4;
	[sflag:s14] =	ssyncset.done $0x0  }
0xa4: {  	s0 =	sadd.s32 s2, s0;
	[sflag:s14] =	ssyncadd.s32 $0xFFFFA400  }
0xa5: {  	[hbm4b:s0+s3] =	stream.linear.scatter [tilespmem:s9], [sflag:$0xA], $0x5C00, $0x38;
	[tilespmem:$0x1F380] =	vst v63  }
0xa6: {  	_ =	swait.ge [sflag:s15], $0x5C00  }
0xa7: {  	[sflag:s15] =	ssyncset.done $0x0  }
0xa8: {  	[sflag:s15] =	ssyncadd.s32 $0xFFFFA400  }
0xa9: {  	_ =	swait.ge [sflag:s16], $0x5C00  }
0xaa: {  	[sflag:s16] =	ssyncset.done $0x0  }
0xab: {  	[sflag:s16] =	ssyncadd.s32 $0xFFFFA400  }
0xac: {  	_ =	swait.ge [sflag:s17], $0x5C00  }
0xad: {  	[sflag:s17] =	ssyncset.done $0x0  }
0xae: {  	s20 =	sadd.s32 $0x1, s20;
	[sflag:s17] =	ssyncadd.s32 $0xFFFFA400  }
0xaf: {  	p0 =	sne.s32 s20, s7;
	_ =	swait.ge [sflag:s18], $0x5C00  }
.Ltmp1:
0xb0: {  	[sflag:s18] =	ssyncset.done $0x0;
	(pc) =	sbr.rel @p0 .LBB2_1-.Ltmp1, $4  }
0xb1: {  	[sflag:s18] =	ssyncadd.s32 $0xFFFFA400  }
0xb2: {  	_ =	swait.ge [sflag:s19], $0x5C00  }
0xb3: {  	[sflag:s19] =	ssyncset.done $0x0  }
0xb4: {  	[sflag:s19] =	ssyncadd.s32 $0xFFFFA400  }
0xb5: {  	_ =	sfence.sel $0x180000  }
0xb6: {  	[bflag:$0x0] =	sbarrier.arrive $0xFFFF  }
0xb7: {  	_ =	strace $0x90000047  }
0xb8: {  	s0 =	stileid.u32;
	[bflag:$0x2] =	sbarrier.arrive $0xFFFF  }
0xb9: {  	p0 =	sne.s32 s0, $0x0;
	s0 =	rddreg [dreg:$0x3]  }
0xba: {  	s0 =	sadd.s32 @!p0 $0x100000, s0  }
0xbb: {  	[sflag:s0] =	ssyncadd.tile.s32 @!p0 $0x1;
	_ =	shalt  }
.Lfunc_end2:
_tile_overlayer_lowered:
.L_overlay_start_2:
0xbc: {  	(tag) =	ssettag $0x2  }
0xbd: {  	s0 =	rddreg [dreg:$0x0];
	s2 =	stileid.u32  }
0xbe: {  	s1 =	rddreg [dreg:$0x1];
	p0 =	sne.s32 s2, $0x0  }
0xbf: {  	s3 =	rddreg [dreg:$0x2];
	[bflag:$0x3] =	sbarrier.arrive $0xFFFF;
	s2 =	simm.s32 @!p0 $0x1C0B  }
0xc0: {  	[timem:s3], [sflag:s2] =	dma.local @!p0 [hbm:s0], s1  }
0xc1: {  	s0 =	simm.s32 @!p0 $0xB  }
0xc2: {  	_ =	swait.ge @!p0 [sflag:s0], s1  }
0xc3: {  	s1 =	ssub.s32 @!p0 $0x0, s1;
	[sflag:s0] =	ssyncset.done @!p0 $0x0  }
0xc4: {  	[sflag:s0] =	ssyncadd.s32 @!p0 s1  }
0xc5: {  	[bflag:$0x3] =	sbarrier.arrive $0xFFFF  }
0xc6: {  	_ =	shalt  }

</sc_bundles>
